<compile_context>
chip_gen: v7x
topology: tpu7x:2x2x1
jax: 0.10.2.dev20260603
libtpu: 0.0.44.dev20260713+nightly
codegen_flags: <defaults>
</compile_context>

<pallas_src>
import functools

import jax
import jax.numpy as jnp
import numpy as np
from jax import lax
from jax.experimental import pallas as pl
from jax.experimental.pallas import tpu as pltpu
from jax.experimental.pallas import tpu_sc as plsc

_DEC_LENS = [1536, 768, 1280, 1024, 896, 1152, 640, 896]
_ENC_LENS = [1024, 1280, 768, 1152, 896, 1024, 1408, 640]
_ND = sum(_DEC_LENS)
_NE = sum(_ENC_LENS)
_NF = 128
_NO = 27
_ZROW = _NO * _ND
_HROWS = (_NO + 1) * _ND
_GRID_WORDS = 8 * 64 * 64 * 64


def _a1_body(dec_ref, w_ref, h_ref):
    o = pl.program_id(1)

    @pl.when(o < _NO)
    def _():
        w = w_ref[jnp.minimum(o, _NO - 1)]
        h_ref[...] = jnp.dot(dec_ref[...], w, preferred_element_type=jnp.float32)

    @pl.when(o >= _NO)
    def _():
        h_ref[...] = jnp.zeros_like(h_ref)


_a1 = pl.pallas_call(
    _a1_body,
    grid=(16, _NO + 1),
    in_specs=[
        pl.BlockSpec((512, 128), lambda r, o: (r, 0)),
        pl.BlockSpec((_NO, 128, 128), lambda r, o: (0, 0, 0)),
    ],
    out_specs=pl.BlockSpec((512, 128), lambda r, o: (o * 16 + r, 0)),
    out_shape=jax.ShapeDtypeStruct((_HROWS, 128), jnp.float32),
)


def _a2_body(enc_ref, wk_ref, wv_ref, k_ref, v_ref):
    e = enc_ref[...]
    k_ref[...] = jnp.dot(e, wk_ref[...], preferred_element_type=jnp.float32)
    v_ref[...] = jnp.dot(e, wv_ref[...], preferred_element_type=jnp.float32)


_a2 = pl.pallas_call(
    _a2_body,
    grid=(16,),
    in_specs=[
        pl.BlockSpec((512, 128), lambda r: (r, 0)),
        pl.BlockSpec((128, 128), lambda r: (0, 0)),
        pl.BlockSpec((128, 128), lambda r: (0, 0)),
    ],
    out_specs=[
        pl.BlockSpec((512, 128), lambda r: (r, 0)),
        pl.BlockSpec((512, 128), lambda r: (r, 0)),
    ],
    out_shape=[
        jax.ShapeDtypeStruct((_NE, 128), jnp.float32),
        jax.ShapeDtypeStruct((_NE, 128), jnp.float32),
    ],
)


def _sc_body(h_hbm, grid_hbm, cx_hbm, cy_hbm, cz_hbm, cb_hbm, xdec_hbm,
             colx, coly, colz, colb, linv, vldb, gbuf, tbuf,
             rows, acc):
    sc = lax.axis_index("c")
    tid = lax.axis_index("s")
    w = sc * 16 + tid
    iot = lax.iota(jnp.int32, 16)

    def _grp(g, c):
        base = w * 256 + g * 128
        pltpu.sync_copy(cx_hbm.at[pl.ds(base, 128)], colx)
        pltpu.sync_copy(cy_hbm.at[pl.ds(base, 128)], coly)
        pltpu.sync_copy(cz_hbm.at[pl.ds(base, 128)], colz)
        pltpu.sync_copy(cb_hbm.at[pl.ds(base, 128)], colb)

        def _zacc(i, c2):
            for j in range(8):
                acc[i, pl.ds(j * 16, 16)] = jnp.zeros((16,), jnp.float32)
            return c2

        lax.fori_loop(0, 128, _zacc, 0)

        def _off(o, c2):
            dx = o // 9 - 1
            dy = (o // 3) % 3 - 1
            dz = o % 3 - 1
            for v in range(8):
                sl = pl.ds(v * 16, 16)
                nx = colx[sl] + dx
                ny = coly[sl] + dy
                nz = colz[sl] + dz
                ok = ((nx >= 0) & (nx < 64) & (ny >= 0) & (ny < 64)
                      & (nz >= 0) & (nz < 64))
                cx = jnp.clip(nx, 0, 63)
                cy = jnp.clip(ny, 0, 63)
                cz = jnp.clip(nz, 0, 63)
                linv[sl] = colb[sl] * 262144 + cx * 4096 + cy * 64 + cz
                vldb[sl] = jnp.where(ok, jnp.full((16,), 1, jnp.int32),
                                     jnp.full((16,), 0, jnp.int32))
            pltpu.sync_copy(grid_hbm.at[linv], gbuf)
            for v in range(8):
                sl = pl.ds(v * 16, 16)
                gi = gbuf[sl]
                okk = (vldb[sl] == 1) & (gi >= 0)
                tbuf[sl] = jnp.where(okk, o * _ND + gi,
                                     _ZROW + v * 16 + iot)
            pltpu.sync_copy(h_hbm.at[tbuf], rows)

            def _acc(i, c3):
                for j in range(8):
                    plsc.addupdate(acc.at[i, pl.ds(j * 16, 16)],
                                   rows[i, pl.ds(j * 16, 16)])
                return c3

            lax.fori_loop(0, 128, _acc, 0)
            return c2

        lax.fori_loop(0, _NO, _off, 0)
        pltpu.sync_copy(acc, xdec_hbm.at[pl.ds(base, 128)])
        return c

    lax.fori_loop(0, 2, _grp, 0)


@functools.lru_cache(maxsize=1)
def _get_sc_conv():
  return functools.partial(
    pl.kernel,
    out_type=[jax.ShapeDtypeStruct((_ND, 128), jnp.float32)],
    mesh=plsc.VectorSubcoreMesh(core_axis_name="c", subcore_axis_name="s",
                                num_cores=2, num_subcores=16),
    scratch_types=[
        pltpu.VMEM((128,), jnp.int32),
        pltpu.VMEM((128,), jnp.int32),
        pltpu.VMEM((128,), jnp.int32),
        pltpu.VMEM((128,), jnp.int32),
        pltpu.VMEM((128,), jnp.int32),
        pltpu.VMEM((128,), jnp.int32),
        pltpu.VMEM((128,), jnp.int32),
        pltpu.VMEM((128,), jnp.int32),
        pltpu.VMEM((128, 128), jnp.float32),
        pltpu.VMEM((128, 128), jnp.float32),
    ],
  )(_sc_body)


_LEMAX = 1408


def _mk_tab():
    dnt = [l // 128 for l in _DEC_LENS]
    b_of, le_of = [], []
    for b in range(8):
        for _ in range(dnt[b]):
            b_of.append(b)
            le_of.append(_ENC_LENS[b])
    return np.asarray([b_of, le_of], dtype=np.int32)


_TAB = _mk_tab()
_NQ = _TAB.shape[1]


def _attn_body(tab_ref, xdec_ref, k_ref, v_ref, wq_ref, wt_ref,
               xt_ref, st_ref):
    p = pl.program_id(0)
    le = tab_ref[1, p]

    @pl.when(p == 0)
    def _():
        st_ref[...] = jnp.zeros_like(st_ref)

    q = jnp.dot(xdec_ref[...], wq_ref[...], preferred_element_type=jnp.float32)
    s = lax.dot_general(q, k_ref[...], (((1,), (1,)), ((), ())),
                        preferred_element_type=jnp.float32)
    colmask = lax.broadcasted_iota(jnp.int32, (128, _LEMAX), 1) < le
    s = jnp.where(colmask, s, -1e30)
    m = jnp.max(s, axis=1, keepdims=True)
    e = jnp.exp(s - m)
    l = jnp.sum(e, axis=1, keepdims=True)
    xr = jnp.dot(e, v_ref[...], preferred_element_type=jnp.float32) / l
    xt = jnp.dot(xr, wt_ref[...], preferred_element_type=jnp.float32)
    xt_ref[...] = xt
    st_ref[0:1, :] = st_ref[0:1, :] + jnp.sum(xt, axis=0, keepdims=True)
    st_ref[1:2, :] = st_ref[1:2, :] + jnp.sum(xt * xt, axis=0, keepdims=True)


_attn = pl.pallas_call(
    _attn_body,
    grid_spec=pltpu.PrefetchScalarGridSpec(
        num_scalar_prefetch=1,
        grid=(_NQ,),
        in_specs=[
            pl.BlockSpec((128, 128), lambda p, tab: (p, 0)),
            pl.BlockSpec((_LEMAX, 128), lambda p, tab: (tab[0, p], 0)),
            pl.BlockSpec((_LEMAX, 128), lambda p, tab: (tab[0, p], 0)),
            pl.BlockSpec((128, 128), lambda p, tab: (0, 0)),
            pl.BlockSpec((128, 128), lambda p, tab: (0, 0)),
        ],
        out_specs=[
            pl.BlockSpec((128, 128), lambda p, tab: (p, 0)),
            pl.BlockSpec((8, 128), lambda p, tab: (0, 0)),
        ],
    ),
    out_shape=[
        jax.ShapeDtypeStruct((_ND, 128), jnp.float32),
        jax.ShapeDtypeStruct((8, 128), jnp.float32),
    ],
)


def _fin_body(xdec_ref, xt_ref, st_ref, g_ref, b_ref, out_ref):
    inv_n = 1.0 / float(_ND)
    mean = st_ref[0:1, :] * inv_n
    ex2 = st_ref[1:2, :] * inv_n
    var = ex2 - mean * mean
    rstd = lax.rsqrt(var + 1e-4)
    out_ref[...] = (xdec_ref[...]
                    + (xt_ref[...] - mean) * rstd * g_ref[...] + b_ref[...])


_fin = pl.pallas_call(
    _fin_body,
    grid=(16,),
    in_specs=[
        pl.BlockSpec((512, 128), lambda r: (r, 0)),
        pl.BlockSpec((512, 128), lambda r: (r, 0)),
        pl.BlockSpec((8, 128), lambda r: (0, 0)),
        pl.BlockSpec((1, 128), lambda r: (0, 0)),
        pl.BlockSpec((1, 128), lambda r: (0, 0)),
    ],
    out_specs=pl.BlockSpec((512, 128), lambda r: (r, 0)),
    out_shape=jax.ShapeDtypeStruct((_ND, 128), jnp.float32),
)


def kernel(dec_feats, enc_feats, W_p1, Wq, Wk, Wv, Wt, gamma, beta,
           dec_coords, enc_coords, dec_cu, enc_cu):
    h = _a1(dec_feats, W_p1)
    k, v = _a2(enc_feats, Wk, Wv)
    cc = dec_coords.astype(jnp.int32)
    lin = cc[:, 3] * 262144 + cc[:, 0] * 4096 + cc[:, 1] * 64 + cc[:, 2]
    grid = jnp.full((_GRID_WORDS,), -1, jnp.int32).at[lin].set(
        jnp.arange(_ND, dtype=jnp.int32))
    (x_dec,) = _get_sc_conv()(h, grid, cc[:, 0], cc[:, 1], cc[:, 2], cc[:, 3])
    ecu = np.concatenate([[0], np.cumsum(_ENC_LENS)]).astype(int)
    kp = jnp.zeros((8 * _LEMAX, 128), jnp.float32)
    vp = jnp.zeros((8 * _LEMAX, 128), jnp.float32)
    for b in range(8):
        kp = lax.dynamic_update_slice(
            kp, lax.dynamic_slice_in_dim(k, int(ecu[b]), _ENC_LENS[b], 0),
            (b * _LEMAX, 0))
        vp = lax.dynamic_update_slice(
            vp, lax.dynamic_slice_in_dim(v, int(ecu[b]), _ENC_LENS[b], 0),
            (b * _LEMAX, 0))
    tab = jnp.asarray(_TAB)
    x_t, stats = _attn(tab, x_dec, kp, vp, Wq, Wt)
    return _fin(x_dec, x_t, stats,
                jnp.reshape(gamma, (1, 128)), jnp.reshape(beta, (1, 128)))

# --- scband reference (transcript-rebuilt; emitter-appended) ---
"""Pipeline reference for scband-cross-transformer-layer-62139586839040 (READ-ONLY COPY).

The authoritative reference and input builder live on the scoring server;
editing this copy changes nothing except your own understanding.
"""

import jax, jax.numpy as jnp
import numpy as np

B = 8
D = 64
DEC_IN = 128
ENC_IN = 128
NF = 128
DEC_LENS = [1536, 768, 1280, 1024, 896, 1152, 640, 896]
ENC_LENS = [1024, 1280, 768, 1152, 896, 1024, 1408, 640]


def _make_coords(rng, lens):
    out = []
    for b, l in enumerate(lens):
        flat = rng.choice(D * D * D, size=l, replace=False)
        x = flat // (D * D)
        y = (flat // D) % D
        z = flat % D
        out.append(np.stack([x, y, z, np.full(l, b)], axis=1).astype(np.int32))
    return np.concatenate(out, axis=0)


def setup_inputs():
    rng = np.random.default_rng(0)
    ks = jax.random.split(jax.random.key(0), 8)
    Nd = sum(DEC_LENS)
    Ne = sum(ENC_LENS)
    dec_coords = jnp.asarray(_make_coords(rng, DEC_LENS))
    enc_coords = jnp.asarray(_make_coords(rng, ENC_LENS))
    dec_cu = jnp.asarray(np.concatenate([[0], np.cumsum(DEC_LENS)]).astype(np.int32))
    enc_cu = jnp.asarray(np.concatenate([[0], np.cumsum(ENC_LENS)]).astype(np.int32))
    dec_feats = jax.random.normal(ks[0], (Nd, DEC_IN), jnp.float32)
    enc_feats = jax.random.normal(ks[1], (Ne, ENC_IN), jnp.float32)
    W_p1 = jax.random.normal(ks[2], (27, DEC_IN, NF), jnp.float32) * (1.0 / np.sqrt(27.0 * DEC_IN))
    Wq = jax.random.normal(ks[3], (NF, NF), jnp.float32) * (1.0 / np.sqrt(NF))
    Wk = jax.random.normal(ks[4], (ENC_IN, NF), jnp.float32) * (1.0 / np.sqrt(ENC_IN))
    Wv = jax.random.normal(ks[5], (ENC_IN, NF), jnp.float32) * (1.0 / np.sqrt(ENC_IN))
    Wt = jax.random.normal(ks[6], (NF, NF), jnp.float32) * (1.0 / np.sqrt(NF))
    gamma = jnp.ones((NF,), jnp.float32)
    beta = jnp.zeros((NF,), jnp.float32)
    return {
        'dec_feats': dec_feats, 'enc_feats': enc_feats,
        'W_p1': W_p1, 'Wq': Wq, 'Wk': Wk, 'Wv': Wv, 'Wt': Wt,
        'gamma': gamma, 'beta': beta,
        'dec_coords': dec_coords, 'enc_coords': enc_coords,
        'dec_cu': dec_cu, 'enc_cu': enc_cu,
    }


def _subconv3(feats, coords, W):
    # faithful 3x3x3 submanifold sparse convolution via voxel-grid index map
    N = feats.shape[0]
    grid = jnp.full((B, D, D, D), -1, dtype=jnp.int32)
    grid = grid.at[coords[:, 3], coords[:, 0], coords[:, 1], coords[:, 2]].set(
        jnp.arange(N, dtype=jnp.int32))
    out = jnp.zeros((N, W.shape[-1]), feats.dtype)
    o = 0
    for dx in (-1, 0, 1):
        for dy in (-1, 0, 1):
            for dz in (-1, 0, 1):
                nx = coords[:, 0] + dx
                ny = coords[:, 1] + dy
                nz = coords[:, 2] + dz
                inb = (nx >= 0) & (nx < D) & (ny >= 0) & (ny < D) & (nz >= 0) & (nz < D)
                nidx = grid[coords[:, 3],
                            jnp.clip(nx, 0, D - 1),
                            jnp.clip(ny, 0, D - 1),
                            jnp.clip(nz, 0, D - 1)]
                valid = inb & (nidx >= 0)
                g = jnp.where(valid[:, None], feats[jnp.clip(nidx, 0, N - 1)], 0.0)
                out = out + g @ W[o]
                o += 1
    return out


def _forward(dec_feats, enc_feats, W_p1, Wq, Wk, Wv, Wt, gamma, beta,
             dec_coords, enc_coords, dec_cu, enc_cu):
    x_dec = _subconv3(dec_feats, dec_coords, W_p1)
    q = x_dec @ Wq
    k = enc_feats @ Wk
    v = enc_feats @ Wv
    feats = []
    for i in range(B):
        dq = jax.lax.dynamic_slice_in_dim(q, dec_cu[i], DEC_LENS[i], axis=0)
        dk = jax.lax.dynamic_slice_in_dim(k, enc_cu[i], ENC_LENS[i], axis=0).T
        dv = jax.lax.dynamic_slice_in_dim(v, enc_cu[i], ENC_LENS[i], axis=0)
        de = dq @ dk
        dr = jax.nn.softmax(de, axis=-1) @ dv
        feats.append(dr)
    x_r = jnp.concatenate(feats, axis=0)
    x_t = x_r @ Wt
    mean = jnp.mean(x_t, axis=0)
    var = jnp.var(x_t, axis=0)
    x_bn = (x_t - mean) / jnp.sqrt(var + 1e-4) * gamma + beta
    return x_dec + x_bn


def reference(dec_feats, enc_feats, W_p1, Wq, Wk, Wv, Wt, gamma, beta,
              dec_coords, enc_coords, dec_cu, enc_cu):
    return _forward(dec_feats, enc_feats, W_p1, Wq, Wk, Wv, Wt, gamma, beta,
                    dec_coords, enc_coords, dec_cu, enc_cu)

if __name__ == "__main__":
    import jax
    _d = setup_inputs()
    print(jax.jit(kernel)(*tuple(_d.values())))

</pallas_src>

<mosaic_0001>
#map = affine_map<(d0, d1) -> (0, 0)>
#map1 = affine_map<(d0, d1) -> (0)>
module attributes {stable_mosaic.version = 14 : i64} {
  func.func @_sc_body(%arg0: i32, %arg1: i32, %arg2: memref<229376x128xf32, #tpu.memory_space<hbm>>, %arg3: memref<2097152xi32, #tpu.memory_space<hbm>>, %arg4: memref<8192xi32, #tpu.memory_space<hbm>>, %arg5: memref<8192xi32, #tpu.memory_space<hbm>>, %arg6: memref<8192xi32, #tpu.memory_space<hbm>>, %arg7: memref<8192xi32, #tpu.memory_space<hbm>>, %arg8: memref<8192x128xf32, #tpu.memory_space<hbm>>, %arg9: memref<128xi32, #tpu.memory_space<vmem>>, %arg10: memref<128xi32, #tpu.memory_space<vmem>>, %arg11: memref<128xi32, #tpu.memory_space<vmem>>, %arg12: memref<128xi32, #tpu.memory_space<vmem>>, %arg13: memref<128xi32, #tpu.memory_space<vmem>>, %arg14: memref<128xi32, #tpu.memory_space<vmem>>, %arg15: memref<128xi32, #tpu.memory_space<vmem>>, %arg16: memref<128xi32, #tpu.memory_space<vmem>>, %arg17: memref<128x128xf32, #tpu.memory_space<vmem>>, %arg18: memref<128x128xf32, #tpu.memory_space<vmem>>) attributes {dimension_semantics = [#tpu.dimension_semantics<core_parallel>, #tpu.dimension_semantics<subcore_parallel>], iteration_bounds = array<i64: 2, 16>, scalar_prefetch = 0 : i64, scratch_operands = 10 : i64, tpu.core_type = #tpu.core_type<sc_vector_subcore>, window_params = [{transform_indices = #map}, {transform_indices = #map1}, {transform_indices = #map1}, {transform_indices = #map1}, {transform_indices = #map1}, {transform_indices = #map1}, {transform_indices = #map}]} {
    %mul3A = arith.constant 16 : i32
    %mul3A_0 = arith.muli %arg0, %mul3A : i32
    %add3A = arith.addi %mul3A_0, %arg1 : i32
    %iota3A = tpu.iota {dimensions = array<i32: 0>} : vector<16xi32>
    %scan3A = arith.constant 0 : i32
    %scan3A_1 = arith.constant 0 : i32
    %scan3A_2 = arith.constant 2 : i32
    %scan3A_3 = arith.addi %scan3A_1, %scan3A_2 : i32
    %scan3A_4 = arith.constant 1 : i32
    scf.for %scan3A_6 = %scan3A_1 to %scan3A_3 step %scan3A_4  : i32 {
      %mul3A_7 = arith.constant 256 : i32
      %mul3A_8 = arith.muli %add3A, %mul3A_7 : i32
      %mul3A_9 = arith.constant 128 : i32
      %mul3A_10 = arith.muli %scan3A_6, %mul3A_9 : i32
      %add3A_11 = arith.addi %mul3A_8, %mul3A_10 : i32
      "tpu.region"() ({
        %run_scoped3A = tpu.sem_alloc : memref<!tpu.dma_semaphore, #tpu.memory_space<semaphore_mem>>
        %dma_start3A = tpu.memref_slice %arg4[%add3A_11] : memref<8192xi32, #tpu.memory_space<hbm>> -> memref<128xi32, #tpu.memory_space<hbm>>
        %dma_start3A_24 = tpu.memref_slice %arg4[%add3A_11] : memref<8192xi32, #tpu.memory_space<hbm>> -> memref<128xi32, #tpu.memory_space<hbm>>
        tpu.enqueue_dma source(%dma_start3A_24 : memref<128xi32, #tpu.memory_space<hbm>>) target(%arg9 : memref<128xi32, #tpu.memory_space<vmem>>) target_semaphore(%run_scoped3A : memref<!tpu.dma_semaphore, #tpu.memory_space<semaphore_mem>>)
        %dma_wait3A = tpu.memref_slice %arg4[%add3A_11] : memref<8192xi32, #tpu.memory_space<hbm>> -> memref<128xi32, #tpu.memory_space<hbm>>
        %dma_wait3A_25 = tpu.memref_slice %arg4[%add3A_11] : memref<8192xi32, #tpu.memory_space<hbm>> -> memref<128xi32, #tpu.memory_space<hbm>>
        tpu.wait_dma2 semaphore(%run_scoped3A : memref<!tpu.dma_semaphore, #tpu.memory_space<semaphore_mem>>) src(%dma_wait3A_25 : memref<128xi32, #tpu.memory_space<hbm>>) dst(%arg9 : memref<128xi32, #tpu.memory_space<vmem>>)
        tpu.yield
      }) : () -> ()
      "tpu.region"() ({
        %run_scoped3A = tpu.sem_alloc : memref<!tpu.dma_semaphore, #tpu.memory_space<semaphore_mem>>
        %dma_start3A = tpu.memref_slice %arg5[%add3A_11] : memref<8192xi32, #tpu.memory_space<hbm>> -> memref<128xi32, #tpu.memory_space<hbm>>
        %dma_start3A_24 = tpu.memref_slice %arg5[%add3A_11] : memref<8192xi32, #tpu.memory_space<hbm>> -> memref<128xi32, #tpu.memory_space<hbm>>
        tpu.enqueue_dma source(%dma_start3A_24 : memref<128xi32, #tpu.memory_space<hbm>>) target(%arg10 : memref<128xi32, #tpu.memory_space<vmem>>) target_semaphore(%run_scoped3A : memref<!tpu.dma_semaphore, #tpu.memory_space<semaphore_mem>>)
        %dma_wait3A = tpu.memref_slice %arg5[%add3A_11] : memref<8192xi32, #tpu.memory_space<hbm>> -> memref<128xi32, #tpu.memory_space<hbm>>
        %dma_wait3A_25 = tpu.memref_slice %arg5[%add3A_11] : memref<8192xi32, #tpu.memory_space<hbm>> -> memref<128xi32, #tpu.memory_space<hbm>>
        tpu.wait_dma2 semaphore(%run_scoped3A : memref<!tpu.dma_semaphore, #tpu.memory_space<semaphore_mem>>) src(%dma_wait3A_25 : memref<128xi32, #tpu.memory_space<hbm>>) dst(%arg10 : memref<128xi32, #tpu.memory_space<vmem>>)
        tpu.yield
      }) : () -> ()
      "tpu.region"() ({
        %run_scoped3A = tpu.sem_alloc : memref<!tpu.dma_semaphore, #tpu.memory_space<semaphore_mem>>
        %dma_start3A = tpu.memref_slice %arg6[%add3A_11] : memref<8192xi32, #tpu.memory_space<hbm>> -> memref<128xi32, #tpu.memory_space<hbm>>
        %dma_start3A_24 = tpu.memref_slice %arg6[%add3A_11] : memref<8192xi32, #tpu.memory_space<hbm>> -> memref<128xi32, #tpu.memory_space<hbm>>
        tpu.enqueue_dma source(%dma_start3A_24 : memref<128xi32, #tpu.memory_space<hbm>>) target(%arg11 : memref<128xi32, #tpu.memory_space<vmem>>) target_semaphore(%run_scoped3A : memref<!tpu.dma_semaphore, #tpu.memory_space<semaphore_mem>>)
        %dma_wait3A = tpu.memref_slice %arg6[%add3A_11] : memref<8192xi32, #tpu.memory_space<hbm>> -> memref<128xi32, #tpu.memory_space<hbm>>
        %dma_wait3A_25 = tpu.memref_slice %arg6[%add3A_11] : memref<8192xi32, #tpu.memory_space<hbm>> -> memref<128xi32, #tpu.memory_space<hbm>>
        tpu.wait_dma2 semaphore(%run_scoped3A : memref<!tpu.dma_semaphore, #tpu.memory_space<semaphore_mem>>) src(%dma_wait3A_25 : memref<128xi32, #tpu.memory_space<hbm>>) dst(%arg11 : memref<128xi32, #tpu.memory_space<vmem>>)
        tpu.yield
      }) : () -> ()
      "tpu.region"() ({
        %run_scoped3A = tpu.sem_alloc : memref<!tpu.dma_semaphore, #tpu.memory_space<semaphore_mem>>
        %dma_start3A = tpu.memref_slice %arg7[%add3A_11] : memref<8192xi32, #tpu.memory_space<hbm>> -> memref<128xi32, #tpu.memory_space<hbm>>
        %dma_start3A_24 = tpu.memref_slice %arg7[%add3A_11] : memref<8192xi32, #tpu.memory_space<hbm>> -> memref<128xi32, #tpu.memory_space<hbm>>
        tpu.enqueue_dma source(%dma_start3A_24 : memref<128xi32, #tpu.memory_space<hbm>>) target(%arg12 : memref<128xi32, #tpu.memory_space<vmem>>) target_semaphore(%run_scoped3A : memref<!tpu.dma_semaphore, #tpu.memory_space<semaphore_mem>>)
        %dma_wait3A = tpu.memref_slice %arg7[%add3A_11] : memref<8192xi32, #tpu.memory_space<hbm>> -> memref<128xi32, #tpu.memory_space<hbm>>
        %dma_wait3A_25 = tpu.memref_slice %arg7[%add3A_11] : memref<8192xi32, #tpu.memory_space<hbm>> -> memref<128xi32, #tpu.memory_space<hbm>>
        tpu.wait_dma2 semaphore(%run_scoped3A : memref<!tpu.dma_semaphore, #tpu.memory_space<semaphore_mem>>) src(%dma_wait3A_25 : memref<128xi32, #tpu.memory_space<hbm>>) dst(%arg12 : memref<128xi32, #tpu.memory_space<vmem>>)
        tpu.yield
      }) : () -> ()
      %scan3A_12 = arith.constant 0 : i32
      %scan3A_13 = arith.constant 0 : i32
      %scan3A_14 = arith.constant 128 : i32
      %scan3A_15 = arith.addi %scan3A_13, %scan3A_14 : i32
      %scan3A_16 = arith.constant 1 : i32
      scf.for %scan3A_24 = %scan3A_13 to %scan3A_15 step %scan3A_16  : i32 {
        %broadcast_in_dim3A = arith.constant 0.000000e+00 : f32
        %broadcast_in_dim3A_25 = vector.broadcast %broadcast_in_dim3A : f32 to vector<16xf32>
        %swap3A = arith.index_cast %scan3A_24 : i32 to index
        %swap3A_26 = arith.constant 0 : index
        %swap3A_27 = tpu.vector_load %arg18[%swap3A, %swap3A_26] {strides = array<i32>} : memref<128x128xf32, #tpu.memory_space<vmem>>, vector<1x16xf32>,
        %swap3A_28 = vector.shape_cast %swap3A_27 : vector<1x16xf32> to vector<16xf32>
        %swap3A_29 = vector.shape_cast %broadcast_in_dim3A_25 : vector<16xf32> to vector<1x16xf32>
        tpu.vector_store %arg18[%swap3A, %swap3A_26], %swap3A_29 {strides = array<i32>} : memref<128x128xf32, #tpu.memory_space<vmem>>, vector<1x16xf32>,
        %broadcast_in_dim3A_30 = arith.constant 0.000000e+00 : f32
        %broadcast_in_dim3A_31 = vector.broadcast %broadcast_in_dim3A_30 : f32 to vector<16xf32>
        %swap3A_32 = arith.index_cast %scan3A_24 : i32 to index
        %swap3A_33 = arith.constant 16 : index
        %swap3A_34 = tpu.vector_load %arg18[%swap3A_32, %swap3A_33] {strides = array<i32>} : memref<128x128xf32, #tpu.memory_space<vmem>>, vector<1x16xf32>,
        %swap3A_35 = vector.shape_cast %swap3A_34 : vector<1x16xf32> to vector<16xf32>
        %swap3A_36 = vector.shape_cast %broadcast_in_dim3A_31 : vector<16xf32> to vector<1x16xf32>
        tpu.vector_store %arg18[%swap3A_32, %swap3A_33], %swap3A_36 {strides = array<i32>} : memref<128x128xf32, #tpu.memory_space<vmem>>, vector<1x16xf32>,
        %broadcast_in_dim3A_37 = arith.constant 0.000000e+00 : f32
        %broadcast_in_dim3A_38 = vector.broadcast %broadcast_in_dim3A_37 : f32 to vector<16xf32>
        %swap3A_39 = arith.index_cast %scan3A_24 : i32 to index
        %swap3A_40 = arith.constant 32 : index
        %swap3A_41 = tpu.vector_load %arg18[%swap3A_39, %swap3A_40] {strides = array<i32>} : memref<128x128xf32, #tpu.memory_space<vmem>>, vector<1x16xf32>,
        %swap3A_42 = vector.shape_cast %swap3A_41 : vector<1x16xf32> to vector<16xf32>
        %swap3A_43 = vector.shape_cast %broadcast_in_dim3A_38 : vector<16xf32> to vector<1x16xf32>
        tpu.vector_store %arg18[%swap3A_39, %swap3A_40], %swap3A_43 {strides = array<i32>} : memref<128x128xf32, #tpu.memory_space<vmem>>, vector<1x16xf32>,
        %broadcast_in_dim3A_44 = arith.constant 0.000000e+00 : f32
        %broadcast_in_dim3A_45 = vector.broadcast %broadcast_in_dim3A_44 : f32 to vector<16xf32>
        %swap3A_46 = arith.index_cast %scan3A_24 : i32 to index
        %swap3A_47 = arith.constant 48 : index
        %swap3A_48 = tpu.vector_load %arg18[%swap3A_46, %swap3A_47] {strides = array<i32>} : memref<128x128xf32, #tpu.memory_space<vmem>>, vector<1x16xf32>,
        %swap3A_49 = vector.shape_cast %swap3A_48 : vector<1x16xf32> to vector<16xf32>
        %swap3A_50 = vector.shape_cast %broadcast_in_dim3A_45 : vector<16xf32> to vector<1x16xf32>
        tpu.vector_store %arg18[%swap3A_46, %swap3A_47], %swap3A_50 {strides = array<i32>} : memref<128x128xf32, #tpu.memory_space<vmem>>, vector<1x16xf32>,
        %broadcast_in_dim3A_51 = arith.constant 0.000000e+00 : f32
        %broadcast_in_dim3A_52 = vector.broadcast %broadcast_in_dim3A_51 : f32 to vector<16xf32>
        %swap3A_53 = arith.index_cast %scan3A_24 : i32 to index
        %swap3A_54 = arith.constant 64 : index
        %swap3A_55 = tpu.vector_load %arg18[%swap3A_53, %swap3A_54] {strides = array<i32>} : memref<128x128xf32, #tpu.memory_space<vmem>>, vector<1x16xf32>,
        %swap3A_56 = vector.shape_cast %swap3A_55 : vector<1x16xf32> to vector<16xf32>
        %swap3A_57 = vector.shape_cast %broadcast_in_dim3A_52 : vector<16xf32> to vector<1x16xf32>
        tpu.vector_store %arg18[%swap3A_53, %swap3A_54], %swap3A_57 {strides = array<i32>} : memref<128x128xf32, #tpu.memory_space<vmem>>, vector<1x16xf32>,
        %broadcast_in_dim3A_58 = arith.constant 0.000000e+00 : f32
        %broadcast_in_dim3A_59 = vector.broadcast %broadcast_in_dim3A_58 : f32 to vector<16xf32>
        %swap3A_60 = arith.index_cast %scan3A_24 : i32 to index
        %swap3A_61 = arith.constant 80 : index
        %swap3A_62 = tpu.vector_load %arg18[%swap3A_60, %swap3A_61] {strides = array<i32>} : memref<128x128xf32, #tpu.memory_space<vmem>>, vector<1x16xf32>,
        %swap3A_63 = vector.shape_cast %swap3A_62 : vector<1x16xf32> to vector<16xf32>
        %swap3A_64 = vector.shape_cast %broadcast_in_dim3A_59 : vector<16xf32> to vector<1x16xf32>
        tpu.vector_store %arg18[%swap3A_60, %swap3A_61], %swap3A_64 {strides = array<i32>} : memref<128x128xf32, #tpu.memory_space<vmem>>, vector<1x16xf32>,
        %broadcast_in_dim3A_65 = arith.constant 0.000000e+00 : f32
        %broadcast_in_dim3A_66 = vector.broadcast %broadcast_in_dim3A_65 : f32 to vector<16xf32>
        %swap3A_67 = arith.index_cast %scan3A_24 : i32 to index
        %swap3A_68 = arith.constant 96 : index
        %swap3A_69 = tpu.vector_load %arg18[%swap3A_67, %swap3A_68] {strides = array<i32>} : memref<128x128xf32, #tpu.memory_space<vmem>>, vector<1x16xf32>,
        %swap3A_70 = vector.shape_cast %swap3A_69 : vector<1x16xf32> to vector<16xf32>
        %swap3A_71 = vector.shape_cast %broadcast_in_dim3A_66 : vector<16xf32> to vector<1x16xf32>
        tpu.vector_store %arg18[%swap3A_67, %swap3A_68], %swap3A_71 {strides = array<i32>} : memref<128x128xf32, #tpu.memory_space<vmem>>, vector<1x16xf32>,
        %broadcast_in_dim3A_72 = arith.constant 0.000000e+00 : f32
        %broadcast_in_dim3A_73 = vector.broadcast %broadcast_in_dim3A_72 : f32 to vector<16xf32>
        %swap3A_74 = arith.index_cast %scan3A_24 : i32 to index
        %swap3A_75 = arith.constant 112 : index
        %swap3A_76 = tpu.vector_load %arg18[%swap3A_74, %swap3A_75] {strides = array<i32>} : memref<128x128xf32, #tpu.memory_space<vmem>>, vector<1x16xf32>,
        %swap3A_77 = vector.shape_cast %swap3A_76 : vector<1x16xf32> to vector<16xf32>
        %swap3A_78 = vector.shape_cast %broadcast_in_dim3A_73 : vector<16xf32> to vector<1x16xf32>
        tpu.vector_store %arg18[%swap3A_74, %swap3A_75], %swap3A_78 {strides = array<i32>} : memref<128x128xf32, #tpu.memory_space<vmem>>, vector<1x16xf32>,
      }
      %scan3A_17 = arith.constant 128 : i32
      %scan3A_18 = arith.constant 0 : i32
      %scan3A_19 = arith.constant 0 : i32
      %scan3A_20 = arith.constant 27 : i32
      %scan3A_21 = arith.addi %scan3A_19, %scan3A_20 : i32
      %scan3A_22 = arith.constant 1 : i32
      scf.for %scan3A_24 = %scan3A_19 to %scan3A_21 step %scan3A_22  : i32 {
        %jit3A = arith.constant 9 : i32
        %div3A = arith.divsi %scan3A_24, %jit3A : i32
        %sign3A = arith.constant 0 : i32
        %sign3A_25 = arith.cmpi sgt, %scan3A_24, %sign3A : i32
        %sign3A_26 = arith.extui %sign3A_25 : i1 to i32
        %sign3A_27 = arith.constant 0 : i32
        %sign3A_28 = arith.cmpi slt, %scan3A_24, %sign3A_27 : i32
        %sign3A_29 = arith.extui %sign3A_28 : i1 to i32
        %sign3A_30 = arith.subi %sign3A_26, %sign3A_29 : i32
        %sign3A_31 = arith.constant 0 : i32
        %sign3A_32 = arith.cmpi sgt, %jit3A, %sign3A_31 : i32
        %sign3A_33 = arith.extui %sign3A_32 : i1 to i32
        %sign3A_34 = arith.constant 0 : i32
        %sign3A_35 = arith.cmpi slt, %jit3A, %sign3A_34 : i32
        %sign3A_36 = arith.extui %sign3A_35 : i1 to i32
        %sign3A_37 = arith.subi %sign3A_33, %sign3A_36 : i32
        %ne3A = arith.cmpi ne, %sign3A_30, %sign3A_37 : i32
        %rem3A = arith.remsi %scan3A_24, %jit3A : i32
        %ne3A_38 = arith.constant 0 : i32
        %ne3A_39 = arith.cmpi ne, %rem3A, %ne3A_38 : i32
        %and3A = arith.andi %ne3A, %ne3A_39 : i1
        %sub3A = arith.constant 1 : i32
        %sub3A_40 = arith.subi %div3A, %sub3A : i32
        %select_n3A = arith.select %and3A, %sub3A_40, %div3A : i32
        %sub3A_41 = arith.constant 1 : i32
        %sub3A_42 = arith.subi %select_n3A, %sub3A_41 : i32
        %jit3A_43 = arith.constant 3 : i32
        %div3A_44 = arith.divsi %scan3A_24, %jit3A_43 : i32
        %sign3A_45 = arith.constant 0 : i32
        %sign3A_46 = arith.cmpi sgt, %scan3A_24, %sign3A_45 : i32
        %sign3A_47 = arith.extui %sign3A_46 : i1 to i32
        %sign3A_48 = arith.constant 0 : i32
        %sign3A_49 = arith.cmpi slt, %scan3A_24, %sign3A_48 : i32
        %sign3A_50 = arith.extui %sign3A_49 : i1 to i32
        %sign3A_51 = arith.subi %sign3A_47, %sign3A_50 : i32
        %sign3A_52 = arith.constant 0 : i32
        %sign3A_53 = arith.cmpi sgt, %jit3A_43, %sign3A_52 : i32
        %sign3A_54 = arith.extui %sign3A_53 : i1 to i32
        %sign3A_55 = arith.constant 0 : i32
        %sign3A_56 = arith.cmpi slt, %jit3A_43, %sign3A_55 : i32
        %sign3A_57 = arith.extui %sign3A_56 : i1 to i32
        %sign3A_58 = arith.subi %sign3A_54, %sign3A_57 : i32
        %ne3A_59 = arith.cmpi ne, %sign3A_51, %sign3A_58 : i32
        %rem3A_60 = arith.remsi %scan3A_24, %jit3A_43 : i32
        %ne3A_61 = arith.constant 0 : i32
        %ne3A_62 = arith.cmpi ne, %rem3A_60, %ne3A_61 : i32
        %and3A_63 = arith.andi %ne3A_59, %ne3A_62 : i1
        %sub3A_64 = arith.constant 1 : i32
        %sub3A_65 = arith.subi %div3A_44, %sub3A_64 : i32
        %select_n3A_66 = arith.select %and3A_63, %sub3A_65, %div3A_44 : i32
        %jit3A_67 = arith.constant 3 : i32
        %eq3A = arith.constant 0 : i32
        %eq3A_68 = arith.cmpi eq, %jit3A_67, %eq3A : i32
        %jit3A_69 = arith.constant 1 : i32
        %select_n3A_70 = arith.select %eq3A_68, %jit3A_69, %jit3A_67 : i32
        %rem3A_71 = arith.remsi %select_n3A_66, %select_n3A_70 : i32
        %ne3A_72 = arith.constant 0 : i32
        %ne3A_73 = arith.cmpi ne, %rem3A_71, %ne3A_72 : i32
        %lt3A = arith.constant 0 : i32
        %lt3A_74 = arith.cmpi slt, %rem3A_71, %lt3A : i32
        %lt3A_75 = arith.constant 0 : i32
        %lt3A_76 = arith.cmpi slt, %select_n3A_70, %lt3A_75 : i32
        %ne3A_77 = arith.xori %lt3A_74, %lt3A_76 : i1
        %and3A_78 = arith.andi %ne3A_77, %ne3A_73 : i1
        %add3A_79 = arith.addi %rem3A_71, %select_n3A_70 : i32
        %select_n3A_80 = arith.select %and3A_78, %add3A_79, %rem3A_71 : i32
        %sub3A_81 = arith.constant 1 : i32
        %sub3A_82 = arith.subi %select_n3A_80, %sub3A_81 : i32
        %jit3A_83 = arith.constant 3 : i32
        %eq3A_84 = arith.constant 0 : i32
        %eq3A_85 = arith.cmpi eq, %jit3A_83, %eq3A_84 : i32
        %jit3A_86 = arith.constant 1 : i32
        %select_n3A_87 = arith.select %eq3A_85, %jit3A_86, %jit3A_83 : i32
        %rem3A_88 = arith.remsi %scan3A_24, %select_n3A_87 : i32
        %ne3A_89 = arith.constant 0 : i32
        %ne3A_90 = arith.cmpi ne, %rem3A_88, %ne3A_89 : i32
        %lt3A_91 = arith.constant 0 : i32
        %lt3A_92 = arith.cmpi slt, %rem3A_88, %lt3A_91 : i32
        %lt3A_93 = arith.constant 0 : i32
        %lt3A_94 = arith.cmpi slt, %select_n3A_87, %lt3A_93 : i32
        %ne3A_95 = arith.xori %lt3A_92, %lt3A_94 : i1
        %and3A_96 = arith.andi %ne3A_95, %ne3A_90 : i1
        %add3A_97 = arith.addi %rem3A_88, %select_n3A_87 : i32
        %select_n3A_98 = arith.select %and3A_96, %add3A_97, %rem3A_88 : i32
        %sub3A_99 = arith.constant 1 : i32
        %sub3A_100 = arith.subi %select_n3A_98, %sub3A_99 : i32
        %get3A = arith.constant 0 : index
        %get3A_101 = tpu.vector_load %arg9[%get3A] {strides = array<i32>} : memref<128xi32, #tpu.memory_space<vmem>>, vector<16xi32>,
        %get3A_102 = vector.shape_cast %get3A_101 : vector<16xi32> to vector<16xi32>
        %add3A_103 = vector.broadcast %sub3A_42 : i32 to vector<16xi32>
        %add3A_104 = arith.addi %get3A_102, %add3A_103 : vector<16xi32>
        %get3A_105 = arith.constant 0 : index
        %get3A_106 = tpu.vector_load %arg10[%get3A_105] {strides = array<i32>} : memref<128xi32, #tpu.memory_space<vmem>>, vector<16xi32>,
        %get3A_107 = vector.shape_cast %get3A_106 : vector<16xi32> to vector<16xi32>
        %add3A_108 = vector.broadcast %sub3A_82 : i32 to vector<16xi32>
        %add3A_109 = arith.addi %get3A_107, %add3A_108 : vector<16xi32>
        %get3A_110 = arith.constant 0 : index
        %get3A_111 = tpu.vector_load %arg11[%get3A_110] {strides = array<i32>} : memref<128xi32, #tpu.memory_space<vmem>>, vector<16xi32>,
        %get3A_112 = vector.shape_cast %get3A_111 : vector<16xi32> to vector<16xi32>
        %add3A_113 = vector.broadcast %sub3A_100 : i32 to vector<16xi32>
        %add3A_114 = arith.addi %get3A_112, %add3A_113 : vector<16xi32>
        %ge3A = arith.constant 0 : i32
        %ge3A_115 = vector.broadcast %ge3A : i32 to vector<16xi32>
        %ge3A_116 = arith.cmpi sge, %add3A_104, %ge3A_115 : vector<16xi32>
        %lt3A_117 = arith.constant 64 : i32
        %lt3A_118 = vector.broadcast %lt3A_117 : i32 to vector<16xi32>
        %lt3A_119 = arith.cmpi slt, %add3A_104, %lt3A_118 : vector<16xi32>
        %and3A_120 = arith.andi %ge3A_116, %lt3A_119 : vector<16xi1>
        %ge3A_121 = arith.constant 0 : i32
        %ge3A_122 = vector.broadcast %ge3A_121 : i32 to vector<16xi32>
        %ge3A_123 = arith.cmpi sge, %add3A_109, %ge3A_122 : vector<16xi32>
        %and3A_124 = arith.andi %and3A_120, %ge3A_123 : vector<16xi1>
        %lt3A_125 = arith.constant 64 : i32
        %lt3A_126 = vector.broadcast %lt3A_125 : i32 to vector<16xi32>
        %lt3A_127 = arith.cmpi slt, %add3A_109, %lt3A_126 : vector<16xi32>
        %and3A_128 = arith.andi %and3A_124, %lt3A_127 : vector<16xi1>
        %ge3A_129 = arith.constant 0 : i32
        %ge3A_130 = vector.broadcast %ge3A_129 : i32 to vector<16xi32>
        %ge3A_131 = arith.cmpi sge, %add3A_114, %ge3A_130 : vector<16xi32>
        %and3A_132 = arith.andi %and3A_128, %ge3A_131 : vector<16xi1>
        %lt3A_133 = arith.constant 64 : i32
        %lt3A_134 = vector.broadcast %lt3A_133 : i32 to vector<16xi32>
        %lt3A_135 = arith.cmpi slt, %add3A_114, %lt3A_134 : vector<16xi32>
        %and3A_136 = arith.andi %and3A_132, %lt3A_135 : vector<16xi1>
        %jit3A_137 = arith.constant 0 : i32
        %jit3A_138 = arith.constant 63 : i32
        %max3A = vector.broadcast %jit3A_137 : i32 to vector<16xi32>
        %max3A_139 = arith.maxsi %max3A, %add3A_104 : vector<16xi32>
        %min3A = vector.broadcast %jit3A_138 : i32 to vector<16xi32>
        %min3A_140 = arith.minsi %min3A, %max3A_139 : vector<16xi32>
        %jit3A_141 = arith.constant 0 : i32
        %jit3A_142 = arith.constant 63 : i32
        %max3A_143 = vector.broadcast %jit3A_141 : i32 to vector<16xi32>
        %max3A_144 = arith.maxsi %max3A_143, %add3A_109 : vector<16xi32>
        %min3A_145 = vector.broadcast %jit3A_142 : i32 to vector<16xi32>
        %min3A_146 = arith.minsi %min3A_145, %max3A_144 : vector<16xi32>
        %jit3A_147 = arith.constant 0 : i32
        %jit3A_148 = arith.constant 63 : i32
        %max3A_149 = vector.broadcast %jit3A_147 : i32 to vector<16xi32>
        %max3A_150 = arith.maxsi %max3A_149, %add3A_114 : vector<16xi32>
        %min3A_151 = vector.broadcast %jit3A_148 : i32 to vector<16xi32>
        %min3A_152 = arith.minsi %min3A_151, %max3A_150 : vector<16xi32>
        %get3A_153 = arith.constant 0 : index
        %get3A_154 = tpu.vector_load %arg12[%get3A_153] {strides = array<i32>} : memref<128xi32, #tpu.memory_space<vmem>>, vector<16xi32>,
        %get3A_155 = vector.shape_cast %get3A_154 : vector<16xi32> to vector<16xi32>
        %mul3A_156 = arith.constant 262144 : i32
        %mul3A_157 = vector.broadcast %mul3A_156 : i32 to vector<16xi32>
        %mul3A_158 = arith.muli %get3A_155, %mul3A_157 : vector<16xi32>
        %mul3A_159 = arith.constant 4096 : i32
        %mul3A_160 = vector.broadcast %mul3A_159 : i32 to vector<16xi32>
        %mul3A_161 = arith.muli %min3A_140, %mul3A_160 : vector<16xi32>
        %add3A_162 = arith.addi %mul3A_158, %mul3A_161 : vector<16xi32>
        %mul3A_163 = arith.constant 64 : i32
        %mul3A_164 = vector.broadcast %mul3A_163 : i32 to vector<16xi32>
        %mul3A_165 = arith.muli %min3A_146, %mul3A_164 : vector<16xi32>
        %add3A_166 = arith.addi %add3A_162, %mul3A_165 : vector<16xi32>
        %add3A_167 = arith.addi %add3A_166, %min3A_152 : vector<16xi32>
        %swap3A = arith.constant 0 : index
        %swap3A_168 = tpu.vector_load %arg13[%swap3A] {strides = array<i32>} : memref<128xi32, #tpu.memory_space<vmem>>, vector<16xi32>,
        %swap3A_169 = vector.shape_cast %swap3A_168 : vector<16xi32> to vector<16xi32>
        %swap3A_170 = vector.shape_cast %add3A_167 : vector<16xi32> to vector<16xi32>
        tpu.vector_store %arg13[%swap3A], %swap3A_170 {strides = array<i32>} : memref<128xi32, #tpu.memory_space<vmem>>, vector<16xi32>,
        %broadcast_in_dim3A = arith.constant 1 : i32
        %broadcast_in_dim3A_171 = vector.broadcast %broadcast_in_dim3A : i32 to vector<16xi32>
        %broadcast_in_dim3A_172 = arith.constant 0 : i32
        %broadcast_in_dim3A_173 = vector.broadcast %broadcast_in_dim3A_172 : i32 to vector<16xi32>
        %select_n3A_174 = arith.select %and3A_136, %broadcast_in_dim3A_171, %broadcast_in_dim3A_173 : vector<16xi1>, vector<16xi32>
        %swap3A_175 = arith.constant 0 : index
        %swap3A_176 = tpu.vector_load %arg14[%swap3A_175] {strides = array<i32>} : memref<128xi32, #tpu.memory_space<vmem>>, vector<16xi32>,
        %swap3A_177 = vector.shape_cast %swap3A_176 : vector<16xi32> to vector<16xi32>
        %swap3A_178 = vector.shape_cast %select_n3A_174 : vector<16xi32> to vector<16xi32>
        tpu.vector_store %arg14[%swap3A_175], %swap3A_178 {strides = array<i32>} : memref<128xi32, #tpu.memory_space<vmem>>, vector<16xi32>,
        %get3A_179 = arith.constant 16 : index
        %get3A_180 = tpu.vector_load %arg9[%get3A_179] {strides = array<i32>} : memref<128xi32, #tpu.memory_space<vmem>>, vector<16xi32>,
        %get3A_181 = vector.shape_cast %get3A_180 : vector<16xi32> to vector<16xi32>
        %add3A_182 = vector.broadcast %sub3A_42 : i32 to vector<16xi32>
        %add3A_183 = arith.addi %get3A_181, %add3A_182 : vector<16xi32>
        %get3A_184 = arith.constant 16 : index
        %get3A_185 = tpu.vector_load %arg10[%get3A_184] {strides = array<i32>} : memref<128xi32, #tpu.memory_space<vmem>>, vector<16xi32>,
        %get3A_186 = vector.shape_cast %get3A_185 : vector<16xi32> to vector<16xi32>
        %add3A_187 = vector.broadcast %sub3A_82 : i32 to vector<16xi32>
        %add3A_188 = arith.addi %get3A_186, %add3A_187 : vector<16xi32>
        %get3A_189 = arith.constant 16 : index
        %get3A_190 = tpu.vector_load %arg11[%get3A_189] {strides = array<i32>} : memref<128xi32, #tpu.memory_space<vmem>>, vector<16xi32>,
        %get3A_191 = vector.shape_cast %get3A_190 : vector<16xi32> to vector<16xi32>
        %add3A_192 = vector.broadcast %sub3A_100 : i32 to vector<16xi32>
        %add3A_193 = arith.addi %get3A_191, %add3A_192 : vector<16xi32>
        %ge3A_194 = arith.constant 0 : i32
        %ge3A_195 = vector.broadcast %ge3A_194 : i32 to vector<16xi32>
        %ge3A_196 = arith.cmpi sge, %add3A_183, %ge3A_195 : vector<16xi32>
        %lt3A_197 = arith.constant 64 : i32
        %lt3A_198 = vector.broadcast %lt3A_197 : i32 to vector<16xi32>
        %lt3A_199 = arith.cmpi slt, %add3A_183, %lt3A_198 : vector<16xi32>
        %and3A_200 = arith.andi %ge3A_196, %lt3A_199 : vector<16xi1>
        %ge3A_201 = arith.constant 0 : i32
        %ge3A_202 = vector.broadcast %ge3A_201 : i32 to vector<16xi32>
        %ge3A_203 = arith.cmpi sge, %add3A_188, %ge3A_202 : vector<16xi32>
        %and3A_204 = arith.andi %and3A_200, %ge3A_203 : vector<16xi1>
        %lt3A_205 = arith.constant 64 : i32
        %lt3A_206 = vector.broadcast %lt3A_205 : i32 to vector<16xi32>
        %lt3A_207 = arith.cmpi slt, %add3A_188, %lt3A_206 : vector<16xi32>
        %and3A_208 = arith.andi %and3A_204, %lt3A_207 : vector<16xi1>
        %ge3A_209 = arith.constant 0 : i32
        %ge3A_210 = vector.broadcast %ge3A_209 : i32 to vector<16xi32>
        %ge3A_211 = arith.cmpi sge, %add3A_193, %ge3A_210 : vector<16xi32>
        %and3A_212 = arith.andi %and3A_208, %ge3A_211 : vector<16xi1>
        %lt3A_213 = arith.constant 64 : i32
        %lt3A_214 = vector.broadcast %lt3A_213 : i32 to vector<16xi32>
        %lt3A_215 = arith.cmpi slt, %add3A_193, %lt3A_214 : vector<16xi32>
        %and3A_216 = arith.andi %and3A_212, %lt3A_215 : vector<16xi1>
        %jit3A_217 = arith.constant 0 : i32
        %jit3A_218 = arith.constant 63 : i32
        %max3A_219 = vector.broadcast %jit3A_217 : i32 to vector<16xi32>
        %max3A_220 = arith.maxsi %max3A_219, %add3A_183 : vector<16xi32>
        %min3A_221 = vector.broadcast %jit3A_218 : i32 to vector<16xi32>
        %min3A_222 = arith.minsi %min3A_221, %max3A_220 : vector<16xi32>
        %jit3A_223 = arith.constant 0 : i32
        %jit3A_224 = arith.constant 63 : i32
        %max3A_225 = vector.broadcast %jit3A_223 : i32 to vector<16xi32>
        %max3A_226 = arith.maxsi %max3A_225, %add3A_188 : vector<16xi32>
        %min3A_227 = vector.broadcast %jit3A_224 : i32 to vector<16xi32>
        %min3A_228 = arith.minsi %min3A_227, %max3A_226 : vector<16xi32>
        %jit3A_229 = arith.constant 0 : i32
        %jit3A_230 = arith.constant 63 : i32
        %max3A_231 = vector.broadcast %jit3A_229 : i32 to vector<16xi32>
        %max3A_232 = arith.maxsi %max3A_231, %add3A_193 : vector<16xi32>
        %min3A_233 = vector.broadcast %jit3A_230 : i32 to vector<16xi32>
        %min3A_234 = arith.minsi %min3A_233, %max3A_232 : vector<16xi32>
        %get3A_235 = arith.constant 16 : index
        %get3A_236 = tpu.vector_load %arg12[%get3A_235] {strides = array<i32>} : memref<128xi32, #tpu.memory_space<vmem>>, vector<16xi32>,
        %get3A_237 = vector.shape_cast %get3A_236 : vector<16xi32> to vector<16xi32>
        %mul3A_238 = arith.constant 262144 : i32
        %mul3A_239 = vector.broadcast %mul3A_238 : i32 to vector<16xi32>
        %mul3A_240 = arith.muli %get3A_237, %mul3A_239 : vector<16xi32>
        %mul3A_241 = arith.constant 4096 : i32
        %mul3A_242 = vector.broadcast %mul3A_241 : i32 to vector<16xi32>
        %mul3A_243 = arith.muli %min3A_222, %mul3A_242 : vector<16xi32>
        %add3A_244 = arith.addi %mul3A_240, %mul3A_243 : vector<16xi32>
        %mul3A_245 = arith.constant 64 : i32
        %mul3A_246 = vector.broadcast %mul3A_245 : i32 to vector<16xi32>
        %mul3A_247 = arith.muli %min3A_228, %mul3A_246 : vector<16xi32>
        %add3A_248 = arith.addi %add3A_244, %mul3A_247 : vector<16xi32>
        %add3A_249 = arith.addi %add3A_248, %min3A_234 : vector<16xi32>
        %swap3A_250 = arith.constant 16 : index
        %swap3A_251 = tpu.vector_load %arg13[%swap3A_250] {strides = array<i32>} : memref<128xi32, #tpu.memory_space<vmem>>, vector<16xi32>,
        %swap3A_252 = vector.shape_cast %swap3A_251 : vector<16xi32> to vector<16xi32>
        %swap3A_253 = vector.shape_cast %add3A_249 : vector<16xi32> to vector<16xi32>
        tpu.vector_store %arg13[%swap3A_250], %swap3A_253 {strides = array<i32>} : memref<128xi32, #tpu.memory_space<vmem>>, vector<16xi32>,
        %broadcast_in_dim3A_254 = arith.constant 1 : i32
        %broadcast_in_dim3A_255 = vector.broadcast %broadcast_in_dim3A_254 : i32 to vector<16xi32>
        %broadcast_in_dim3A_256 = arith.constant 0 : i32
        %broadcast_in_dim3A_257 = vector.broadcast %broadcast_in_dim3A_256 : i32 to vector<16xi32>
        %select_n3A_258 = arith.select %and3A_216, %broadcast_in_dim3A_255, %broadcast_in_dim3A_257 : vector<16xi1>, vector<16xi32>
        %swap3A_259 = arith.constant 16 : index
        %swap3A_260 = tpu.vector_load %arg14[%swap3A_259] {strides = array<i32>} : memref<128xi32, #tpu.memory_space<vmem>>, vector<16xi32>,
        %swap3A_261 = vector.shape_cast %swap3A_260 : vector<16xi32> to vector<16xi32>
        %swap3A_262 = vector.shape_cast %select_n3A_258 : vector<16xi32> to vector<16xi32>
        tpu.vector_store %arg14[%swap3A_259], %swap3A_262 {strides = array<i32>} : memref<128xi32, #tpu.memory_space<vmem>>, vector<16xi32>,
        %get3A_263 = arith.constant 32 : index
        %get3A_264 = tpu.vector_load %arg9[%get3A_263] {strides = array<i32>} : memref<128xi32, #tpu.memory_space<vmem>>, vector<16xi32>,
        %get3A_265 = vector.shape_cast %get3A_264 : vector<16xi32> to vector<16xi32>
        %add3A_266 = vector.broadcast %sub3A_42 : i32 to vector<16xi32>
        %add3A_267 = arith.addi %get3A_265, %add3A_266 : vector<16xi32>
        %get3A_268 = arith.constant 32 : index
        %get3A_269 = tpu.vector_load %arg10[%get3A_268] {strides = array<i32>} : memref<128xi32, #tpu.memory_space<vmem>>, vector<16xi32>,
        %get3A_270 = vector.shape_cast %get3A_269 : vector<16xi32> to vector<16xi32>
        %add3A_271 = vector.broadcast %sub3A_82 : i32 to vector<16xi32>
        %add3A_272 = arith.addi %get3A_270, %add3A_271 : vector<16xi32>
        %get3A_273 = arith.constant 32 : index
        %get3A_274 = tpu.vector_load %arg11[%get3A_273] {strides = array<i32>} : memref<128xi32, #tpu.memory_space<vmem>>, vector<16xi32>,
        %get3A_275 = vector.shape_cast %get3A_274 : vector<16xi32> to vector<16xi32>
        %add3A_276 = vector.broadcast %sub3A_100 : i32 to vector<16xi32>
        %add3A_277 = arith.addi %get3A_275, %add3A_276 : vector<16xi32>
        %ge3A_278 = arith.constant 0 : i32
        %ge3A_279 = vector.broadcast %ge3A_278 : i32 to vector<16xi32>
        %ge3A_280 = arith.cmpi sge, %add3A_267, %ge3A_279 : vector<16xi32>
        %lt3A_281 = arith.constant 64 : i32
        %lt3A_282 = vector.broadcast %lt3A_281 : i32 to vector<16xi32>
        %lt3A_283 = arith.cmpi slt, %add3A_267, %lt3A_282 : vector<16xi32>
        %and3A_284 = arith.andi %ge3A_280, %lt3A_283 : vector<16xi1>
        %ge3A_285 = arith.constant 0 : i32
        %ge3A_286 = vector.broadcast %ge3A_285 : i32 to vector<16xi32>
        %ge3A_287 = arith.cmpi sge, %add3A_272, %ge3A_286 : vector<16xi32>
        %and3A_288 = arith.andi %and3A_284, %ge3A_287 : vector<16xi1>
        %lt3A_289 = arith.constant 64 : i32
        %lt3A_290 = vector.broadcast %lt3A_289 : i32 to vector<16xi32>
        %lt3A_291 = arith.cmpi slt, %add3A_272, %lt3A_290 : vector<16xi32>
        %and3A_292 = arith.andi %and3A_288, %lt3A_291 : vector<16xi1>
        %ge3A_293 = arith.constant 0 : i32
        %ge3A_294 = vector.broadcast %ge3A_293 : i32 to vector<16xi32>
        %ge3A_295 = arith.cmpi sge, %add3A_277, %ge3A_294 : vector<16xi32>
        %and3A_296 = arith.andi %and3A_292, %ge3A_295 : vector<16xi1>
        %lt3A_297 = arith.constant 64 : i32
        %lt3A_298 = vector.broadcast %lt3A_297 : i32 to vector<16xi32>
        %lt3A_299 = arith.cmpi slt, %add3A_277, %lt3A_298 : vector<16xi32>
        %and3A_300 = arith.andi %and3A_296, %lt3A_299 : vector<16xi1>
        %jit3A_301 = arith.constant 0 : i32
        %jit3A_302 = arith.constant 63 : i32
        %max3A_303 = vector.broadcast %jit3A_301 : i32 to vector<16xi32>
        %max3A_304 = arith.maxsi %max3A_303, %add3A_267 : vector<16xi32>
        %min3A_305 = vector.broadcast %jit3A_302 : i32 to vector<16xi32>
        %min3A_306 = arith.minsi %min3A_305, %max3A_304 : vector<16xi32>
        %jit3A_307 = arith.constant 0 : i32
        %jit3A_308 = arith.constant 63 : i32
        %max3A_309 = vector.broadcast %jit3A_307 : i32 to vector<16xi32>
        %max3A_310 = arith.maxsi %max3A_309, %add3A_272 : vector<16xi32>
        %min3A_311 = vector.broadcast %jit3A_308 : i32 to vector<16xi32>
        %min3A_312 = arith.minsi %min3A_311, %max3A_310 : vector<16xi32>
        %jit3A_313 = arith.constant 0 : i32
        %jit3A_314 = arith.constant 63 : i32
        %max3A_315 = vector.broadcast %jit3A_313 : i32 to vector<16xi32>
        %max3A_316 = arith.maxsi %max3A_315, %add3A_277 : vector<16xi32>
        %min3A_317 = vector.broadcast %jit3A_314 : i32 to vector<16xi32>
        %min3A_318 = arith.minsi %min3A_317, %max3A_316 : vector<16xi32>
        %get3A_319 = arith.constant 32 : index
        %get3A_320 = tpu.vector_load %arg12[%get3A_319] {strides = array<i32>} : memref<128xi32, #tpu.memory_space<vmem>>, vector<16xi32>,
        %get3A_321 = vector.shape_cast %get3A_320 : vector<16xi32> to vector<16xi32>
        %mul3A_322 = arith.constant 262144 : i32
        %mul3A_323 = vector.broadcast %mul3A_322 : i32 to vector<16xi32>
        %mul3A_324 = arith.muli %get3A_321, %mul3A_323 : vector<16xi32>
        %mul3A_325 = arith.constant 4096 : i32
        %mul3A_326 = vector.broadcast %mul3A_325 : i32 to vector<16xi32>
        %mul3A_327 = arith.muli %min3A_306, %mul3A_326 : vector<16xi32>
        %add3A_328 = arith.addi %mul3A_324, %mul3A_327 : vector<16xi32>
        %mul3A_329 = arith.constant 64 : i32
        %mul3A_330 = vector.broadcast %mul3A_329 : i32 to vector<16xi32>
        %mul3A_331 = arith.muli %min3A_312, %mul3A_330 : vector<16xi32>
        %add3A_332 = arith.addi %add3A_328, %mul3A_331 : vector<16xi32>
        %add3A_333 = arith.addi %add3A_332, %min3A_318 : vector<16xi32>
        %swap3A_334 = arith.constant 32 : index
        %swap3A_335 = tpu.vector_load %arg13[%swap3A_334] {strides = array<i32>} : memref<128xi32, #tpu.memory_space<vmem>>, vector<16xi32>,
        %swap3A_336 = vector.shape_cast %swap3A_335 : vector<16xi32> to vector<16xi32>
        %swap3A_337 = vector.shape_cast %add3A_333 : vector<16xi32> to vector<16xi32>
        tpu.vector_store %arg13[%swap3A_334], %swap3A_337 {strides = array<i32>} : memref<128xi32, #tpu.memory_space<vmem>>, vector<16xi32>,
        %broadcast_in_dim3A_338 = arith.constant 1 : i32
        %broadcast_in_dim3A_339 = vector.broadcast %broadcast_in_dim3A_338 : i32 to vector<16xi32>
        %broadcast_in_dim3A_340 = arith.constant 0 : i32
        %broadcast_in_dim3A_341 = vector.broadcast %broadcast_in_dim3A_340 : i32 to vector<16xi32>
        %select_n3A_342 = arith.select %and3A_300, %broadcast_in_dim3A_339, %broadcast_in_dim3A_341 : vector<16xi1>, vector<16xi32>
        %swap3A_343 = arith.constant 32 : index
        %swap3A_344 = tpu.vector_load %arg14[%swap3A_343] {strides = array<i32>} : memref<128xi32, #tpu.memory_space<vmem>>, vector<16xi32>,
        %swap3A_345 = vector.shape_cast %swap3A_344 : vector<16xi32> to vector<16xi32>
        %swap3A_346 = vector.shape_cast %select_n3A_342 : vector<16xi32> to vector<16xi32>
        tpu.vector_store %arg14[%swap3A_343], %swap3A_346 {strides = array<i32>} : memref<128xi32, #tpu.memory_space<vmem>>, vector<16xi32>,
        %get3A_347 = arith.constant 48 : index
        %get3A_348 = tpu.vector_load %arg9[%get3A_347] {strides = array<i32>} : memref<128xi32, #tpu.memory_space<vmem>>, vector<16xi32>,
        %get3A_349 = vector.shape_cast %get3A_348 : vector<16xi32> to vector<16xi32>
        %add3A_350 = vector.broadcast %sub3A_42 : i32 to vector<16xi32>
        %add3A_351 = arith.addi %get3A_349, %add3A_350 : vector<16xi32>
        %get3A_352 = arith.constant 48 : index
        %get3A_353 = tpu.vector_load %arg10[%get3A_352] {strides = array<i32>} : memref<128xi32, #tpu.memory_space<vmem>>, vector<16xi32>,
        %get3A_354 = vector.shape_cast %get3A_353 : vector<16xi32> to vector<16xi32>
        %add3A_355 = vector.broadcast %sub3A_82 : i32 to vector<16xi32>
        %add3A_356 = arith.addi %get3A_354, %add3A_355 : vector<16xi32>
        %get3A_357 = arith.constant 48 : index
        %get3A_358 = tpu.vector_load %arg11[%get3A_357] {strides = array<i32>} : memref<128xi32, #tpu.memory_space<vmem>>, vector<16xi32>,
        %get3A_359 = vector.shape_cast %get3A_358 : vector<16xi32> to vector<16xi32>
        %add3A_360 = vector.broadcast %sub3A_100 : i32 to vector<16xi32>
        %add3A_361 = arith.addi %get3A_359, %add3A_360 : vector<16xi32>
        %ge3A_362 = arith.constant 0 : i32
        %ge3A_363 = vector.broadcast %ge3A_362 : i32 to vector<16xi32>
        %ge3A_364 = arith.cmpi sge, %add3A_351, %ge3A_363 : vector<16xi32>
        %lt3A_365 = arith.constant 64 : i32
        %lt3A_366 = vector.broadcast %lt3A_365 : i32 to vector<16xi32>
        %lt3A_367 = arith.cmpi slt, %add3A_351, %lt3A_366 : vector<16xi32>
        %and3A_368 = arith.andi %ge3A_364, %lt3A_367 : vector<16xi1>
        %ge3A_369 = arith.constant 0 : i32
        %ge3A_370 = vector.broadcast %ge3A_369 : i32 to vector<16xi32>
        %ge3A_371 = arith.cmpi sge, %add3A_356, %ge3A_370 : vector<16xi32>
        %and3A_372 = arith.andi %and3A_368, %ge3A_371 : vector<16xi1>
        %lt3A_373 = arith.constant 64 : i32
        %lt3A_374 = vector.broadcast %lt3A_373 : i32 to vector<16xi32>
        %lt3A_375 = arith.cmpi slt, %add3A_356, %lt3A_374 : vector<16xi32>
        %and3A_376 = arith.andi %and3A_372, %lt3A_375 : vector<16xi1>
        %ge3A_377 = arith.constant 0 : i32
        %ge3A_378 = vector.broadcast %ge3A_377 : i32 to vector<16xi32>
        %ge3A_379 = arith.cmpi sge, %add3A_361, %ge3A_378 : vector<16xi32>
        %and3A_380 = arith.andi %and3A_376, %ge3A_379 : vector<16xi1>
        %lt3A_381 = arith.constant 64 : i32
        %lt3A_382 = vector.broadcast %lt3A_381 : i32 to vector<16xi32>
        %lt3A_383 = arith.cmpi slt, %add3A_361, %lt3A_382 : vector<16xi32>
        %and3A_384 = arith.andi %and3A_380, %lt3A_383 : vector<16xi1>
        %jit3A_385 = arith.constant 0 : i32
        %jit3A_386 = arith.constant 63 : i32
        %max3A_387 = vector.broadcast %jit3A_385 : i32 to vector<16xi32>
        %max3A_388 = arith.maxsi %max3A_387, %add3A_351 : vector<16xi32>
        %min3A_389 = vector.broadcast %jit3A_386 : i32 to vector<16xi32>
        %min3A_390 = arith.minsi %min3A_389, %max3A_388 : vector<16xi32>
        %jit3A_391 = arith.constant 0 : i32
        %jit3A_392 = arith.constant 63 : i32
        %max3A_393 = vector.broadcast %jit3A_391 : i32 to vector<16xi32>
        %max3A_394 = arith.maxsi %max3A_393, %add3A_356 : vector<16xi32>
        %min3A_395 = vector.broadcast %jit3A_392 : i32 to vector<16xi32>
        %min3A_396 = arith.minsi %min3A_395, %max3A_394 : vector<16xi32>
        %jit3A_397 = arith.constant 0 : i32
        %jit3A_398 = arith.constant 63 : i32
        %max3A_399 = vector.broadcast %jit3A_397 : i32 to vector<16xi32>
        %max3A_400 = arith.maxsi %max3A_399, %add3A_361 : vector<16xi32>
        %min3A_401 = vector.broadcast %jit3A_398 : i32 to vector<16xi32>
        %min3A_402 = arith.minsi %min3A_401, %max3A_400 : vector<16xi32>
        %get3A_403 = arith.constant 48 : index
        %get3A_404 = tpu.vector_load %arg12[%get3A_403] {strides = array<i32>} : memref<128xi32, #tpu.memory_space<vmem>>, vector<16xi32>,
        %get3A_405 = vector.shape_cast %get3A_404 : vector<16xi32> to vector<16xi32>
        %mul3A_406 = arith.constant 262144 : i32
        %mul3A_407 = vector.broadcast %mul3A_406 : i32 to vector<16xi32>
        %mul3A_408 = arith.muli %get3A_405, %mul3A_407 : vector<16xi32>
        %mul3A_409 = arith.constant 4096 : i32
        %mul3A_410 = vector.broadcast %mul3A_409 : i32 to vector<16xi32>
        %mul3A_411 = arith.muli %min3A_390, %mul3A_410 : vector<16xi32>
        %add3A_412 = arith.addi %mul3A_408, %mul3A_411 : vector<16xi32>
        %mul3A_413 = arith.constant 64 : i32
        %mul3A_414 = vector.broadcast %mul3A_413 : i32 to vector<16xi32>
        %mul3A_415 = arith.muli %min3A_396, %mul3A_414 : vector<16xi32>
        %add3A_416 = arith.addi %add3A_412, %mul3A_415 : vector<16xi32>
        %add3A_417 = arith.addi %add3A_416, %min3A_402 : vector<16xi32>
        %swap3A_418 = arith.constant 48 : index
        %swap3A_419 = tpu.vector_load %arg13[%swap3A_418] {strides = array<i32>} : memref<128xi32, #tpu.memory_space<vmem>>, vector<16xi32>,
        %swap3A_420 = vector.shape_cast %swap3A_419 : vector<16xi32> to vector<16xi32>
        %swap3A_421 = vector.shape_cast %add3A_417 : vector<16xi32> to vector<16xi32>
        tpu.vector_store %arg13[%swap3A_418], %swap3A_421 {strides = array<i32>} : memref<128xi32, #tpu.memory_space<vmem>>, vector<16xi32>,
        %broadcast_in_dim3A_422 = arith.constant 1 : i32
        %broadcast_in_dim3A_423 = vector.broadcast %broadcast_in_dim3A_422 : i32 to vector<16xi32>
        %broadcast_in_dim3A_424 = arith.constant 0 : i32
        %broadcast_in_dim3A_425 = vector.broadcast %broadcast_in_dim3A_424 : i32 to vector<16xi32>
        %select_n3A_426 = arith.select %and3A_384, %broadcast_in_dim3A_423, %broadcast_in_dim3A_425 : vector<16xi1>, vector<16xi32>
        %swap3A_427 = arith.constant 48 : index
        %swap3A_428 = tpu.vector_load %arg14[%swap3A_427] {strides = array<i32>} : memref<128xi32, #tpu.memory_space<vmem>>, vector<16xi32>,
        %swap3A_429 = vector.shape_cast %swap3A_428 : vector<16xi32> to vector<16xi32>
        %swap3A_430 = vector.shape_cast %select_n3A_426 : vector<16xi32> to vector<16xi32>
        tpu.vector_store %arg14[%swap3A_427], %swap3A_430 {strides = array<i32>} : memref<128xi32, #tpu.memory_space<vmem>>, vector<16xi32>,
        %get3A_431 = arith.constant 64 : index
        %get3A_432 = tpu.vector_load %arg9[%get3A_431] {strides = array<i32>} : memref<128xi32, #tpu.memory_space<vmem>>, vector<16xi32>,
        %get3A_433 = vector.shape_cast %get3A_432 : vector<16xi32> to vector<16xi32>
        %add3A_434 = vector.broadcast %sub3A_42 : i32 to vector<16xi32>
        %add3A_435 = arith.addi %get3A_433, %add3A_434 : vector<16xi32>
        %get3A_436 = arith.constant 64 : index
        %get3A_437 = tpu.vector_load %arg10[%get3A_436] {strides = array<i32>} : memref<128xi32, #tpu.memory_space<vmem>>, vector<16xi32>,
        %get3A_438 = vector.shape_cast %get3A_437 : vector<16xi32> to vector<16xi32>
        %add3A_439 = vector.broadcast %sub3A_82 : i32 to vector<16xi32>
        %add3A_440 = arith.addi %get3A_438, %add3A_439 : vector<16xi32>
        %get3A_441 = arith.constant 64 : index
        %get3A_442 = tpu.vector_load %arg11[%get3A_441] {strides = array<i32>} : memref<128xi32, #tpu.memory_space<vmem>>, vector<16xi32>,
        %get3A_443 = vector.shape_cast %get3A_442 : vector<16xi32> to vector<16xi32>
        %add3A_444 = vector.broadcast %sub3A_100 : i32 to vector<16xi32>
        %add3A_445 = arith.addi %get3A_443, %add3A_444 : vector<16xi32>
        %ge3A_446 = arith.constant 0 : i32
        %ge3A_447 = vector.broadcast %ge3A_446 : i32 to vector<16xi32>
        %ge3A_448 = arith.cmpi sge, %add3A_435, %ge3A_447 : vector<16xi32>
        %lt3A_449 = arith.constant 64 : i32
        %lt3A_450 = vector.broadcast %lt3A_449 : i32 to vector<16xi32>
        %lt3A_451 = arith.cmpi slt, %add3A_435, %lt3A_450 : vector<16xi32>
        %and3A_452 = arith.andi %ge3A_448, %lt3A_451 : vector<16xi1>
        %ge3A_453 = arith.constant 0 : i32
        %ge3A_454 = vector.broadcast %ge3A_453 : i32 to vector<16xi32>
        %ge3A_455 = arith.cmpi sge, %add3A_440, %ge3A_454 : vector<16xi32>
        %and3A_456 = arith.andi %and3A_452, %ge3A_455 : vector<16xi1>
        %lt3A_457 = arith.constant 64 : i32
        %lt3A_458 = vector.broadcast %lt3A_457 : i32 to vector<16xi32>
        %lt3A_459 = arith.cmpi slt, %add3A_440, %lt3A_458 : vector<16xi32>
        %and3A_460 = arith.andi %and3A_456, %lt3A_459 : vector<16xi1>
        %ge3A_461 = arith.constant 0 : i32
        %ge3A_462 = vector.broadcast %ge3A_461 : i32 to vector<16xi32>
        %ge3A_463 = arith.cmpi sge, %add3A_445, %ge3A_462 : vector<16xi32>
        %and3A_464 = arith.andi %and3A_460, %ge3A_463 : vector<16xi1>
        %lt3A_465 = arith.constant 64 : i32
        %lt3A_466 = vector.broadcast %lt3A_465 : i32 to vector<16xi32>
        %lt3A_467 = arith.cmpi slt, %add3A_445, %lt3A_466 : vector<16xi32>
        %and3A_468 = arith.andi %and3A_464, %lt3A_467 : vector<16xi1>
        %jit3A_469 = arith.constant 0 : i32
        %jit3A_470 = arith.constant 63 : i32
        %max3A_471 = vector.broadcast %jit3A_469 : i32 to vector<16xi32>
        %max3A_472 = arith.maxsi %max3A_471, %add3A_435 : vector<16xi32>
        %min3A_473 = vector.broadcast %jit3A_470 : i32 to vector<16xi32>
        %min3A_474 = arith.minsi %min3A_473, %max3A_472 : vector<16xi32>
        %jit3A_475 = arith.constant 0 : i32
        %jit3A_476 = arith.constant 63 : i32
        %max3A_477 = vector.broadcast %jit3A_475 : i32 to vector<16xi32>
        %max3A_478 = arith.maxsi %max3A_477, %add3A_440 : vector<16xi32>
        %min3A_479 = vector.broadcast %jit3A_476 : i32 to vector<16xi32>
        %min3A_480 = arith.minsi %min3A_479, %max3A_478 : vector<16xi32>
        %jit3A_481 = arith.constant 0 : i32
        %jit3A_482 = arith.constant 63 : i32
        %max3A_483 = vector.broadcast %jit3A_481 : i32 to vector<16xi32>
        %max3A_484 = arith.maxsi %max3A_483, %add3A_445 : vector<16xi32>
        %min3A_485 = vector.broadcast %jit3A_482 : i32 to vector<16xi32>
        %min3A_486 = arith.minsi %min3A_485, %max3A_484 : vector<16xi32>
        %get3A_487 = arith.constant 64 : index
        %get3A_488 = tpu.vector_load %arg12[%get3A_487] {strides = array<i32>} : memref<128xi32, #tpu.memory_space<vmem>>, vector<16xi32>,
        %get3A_489 = vector.shape_cast %get3A_488 : vector<16xi32> to vector<16xi32>
        %mul3A_490 = arith.constant 262144 : i32
        %mul3A_491 = vector.broadcast %mul3A_490 : i32 to vector<16xi32>
        %mul3A_492 = arith.muli %get3A_489, %mul3A_491 : vector<16xi32>
        %mul3A_493 = arith.constant 4096 : i32
        %mul3A_494 = vector.broadcast %mul3A_493 : i32 to vector<16xi32>
        %mul3A_495 = arith.muli %min3A_474, %mul3A_494 : vector<16xi32>
        %add3A_496 = arith.addi %mul3A_492, %mul3A_495 : vector<16xi32>
        %mul3A_497 = arith.constant 64 : i32
        %mul3A_498 = vector.broadcast %mul3A_497 : i32 to vector<16xi32>
        %mul3A_499 = arith.muli %min3A_480, %mul3A_498 : vector<16xi32>
        %add3A_500 = arith.addi %add3A_496, %mul3A_499 : vector<16xi32>
        %add3A_501 = arith.addi %add3A_500, %min3A_486 : vector<16xi32>
        %swap3A_502 = arith.constant 64 : index
        %swap3A_503 = tpu.vector_load %arg13[%swap3A_502] {strides = array<i32>} : memref<128xi32, #tpu.memory_space<vmem>>, vector<16xi32>,
        %swap3A_504 = vector.shape_cast %swap3A_503 : vector<16xi32> to vector<16xi32>
        %swap3A_505 = vector.shape_cast %add3A_501 : vector<16xi32> to vector<16xi32>
        tpu.vector_store %arg13[%swap3A_502], %swap3A_505 {strides = array<i32>} : memref<128xi32, #tpu.memory_space<vmem>>, vector<16xi32>,
        %broadcast_in_dim3A_506 = arith.constant 1 : i32
        %broadcast_in_dim3A_507 = vector.broadcast %broadcast_in_dim3A_506 : i32 to vector<16xi32>
        %broadcast_in_dim3A_508 = arith.constant 0 : i32
        %broadcast_in_dim3A_509 = vector.broadcast %broadcast_in_dim3A_508 : i32 to vector<16xi32>
        %select_n3A_510 = arith.select %and3A_468, %broadcast_in_dim3A_507, %broadcast_in_dim3A_509 : vector<16xi1>, vector<16xi32>
        %swap3A_511 = arith.constant 64 : index
        %swap3A_512 = tpu.vector_load %arg14[%swap3A_511] {strides = array<i32>} : memref<128xi32, #tpu.memory_space<vmem>>, vector<16xi32>,
        %swap3A_513 = vector.shape_cast %swap3A_512 : vector<16xi32> to vector<16xi32>
        %swap3A_514 = vector.shape_cast %select_n3A_510 : vector<16xi32> to vector<16xi32>
        tpu.vector_store %arg14[%swap3A_511], %swap3A_514 {strides = array<i32>} : memref<128xi32, #tpu.memory_space<vmem>>, vector<16xi32>,
        %get3A_515 = arith.constant 80 : index
        %get3A_516 = tpu.vector_load %arg9[%get3A_515] {strides = array<i32>} : memref<128xi32, #tpu.memory_space<vmem>>, vector<16xi32>,
        %get3A_517 = vector.shape_cast %get3A_516 : vector<16xi32> to vector<16xi32>
        %add3A_518 = vector.broadcast %sub3A_42 : i32 to vector<16xi32>
        %add3A_519 = arith.addi %get3A_517, %add3A_518 : vector<16xi32>
        %get3A_520 = arith.constant 80 : index
        %get3A_521 = tpu.vector_load %arg10[%get3A_520] {strides = array<i32>} : memref<128xi32, #tpu.memory_space<vmem>>, vector<16xi32>,
        %get3A_522 = vector.shape_cast %get3A_521 : vector<16xi32> to vector<16xi32>
        %add3A_523 = vector.broadcast %sub3A_82 : i32 to vector<16xi32>
        %add3A_524 = arith.addi %get3A_522, %add3A_523 : vector<16xi32>
        %get3A_525 = arith.constant 80 : index
        %get3A_526 = tpu.vector_load %arg11[%get3A_525] {strides = array<i32>} : memref<128xi32, #tpu.memory_space<vmem>>, vector<16xi32>,
        %get3A_527 = vector.shape_cast %get3A_526 : vector<16xi32> to vector<16xi32>
        %add3A_528 = vector.broadcast %sub3A_100 : i32 to vector<16xi32>
        %add3A_529 = arith.addi %get3A_527, %add3A_528 : vector<16xi32>
        %ge3A_530 = arith.constant 0 : i32
        %ge3A_531 = vector.broadcast %ge3A_530 : i32 to vector<16xi32>
        %ge3A_532 = arith.cmpi sge, %add3A_519, %ge3A_531 : vector<16xi32>
        %lt3A_533 = arith.constant 64 : i32
        %lt3A_534 = vector.broadcast %lt3A_533 : i32 to vector<16xi32>
        %lt3A_535 = arith.cmpi slt, %add3A_519, %lt3A_534 : vector<16xi32>
        %and3A_536 = arith.andi %ge3A_532, %lt3A_535 : vector<16xi1>
        %ge3A_537 = arith.constant 0 : i32
        %ge3A_538 = vector.broadcast %ge3A_537 : i32 to vector<16xi32>
        %ge3A_539 = arith.cmpi sge, %add3A_524, %ge3A_538 : vector<16xi32>
        %and3A_540 = arith.andi %and3A_536, %ge3A_539 : vector<16xi1>
        %lt3A_541 = arith.constant 64 : i32
        %lt3A_542 = vector.broadcast %lt3A_541 : i32 to vector<16xi32>
        %lt3A_543 = arith.cmpi slt, %add3A_524, %lt3A_542 : vector<16xi32>
        %and3A_544 = arith.andi %and3A_540, %lt3A_543 : vector<16xi1>
        %ge3A_545 = arith.constant 0 : i32
        %ge3A_546 = vector.broadcast %ge3A_545 : i32 to vector<16xi32>
        %ge3A_547 = arith.cmpi sge, %add3A_529, %ge3A_546 : vector<16xi32>
        %and3A_548 = arith.andi %and3A_544, %ge3A_547 : vector<16xi1>
        %lt3A_549 = arith.constant 64 : i32
        %lt3A_550 = vector.broadcast %lt3A_549 : i32 to vector<16xi32>
        %lt3A_551 = arith.cmpi slt, %add3A_529, %lt3A_550 : vector<16xi32>
        %and3A_552 = arith.andi %and3A_548, %lt3A_551 : vector<16xi1>
        %jit3A_553 = arith.constant 0 : i32
        %jit3A_554 = arith.constant 63 : i32
        %max3A_555 = vector.broadcast %jit3A_553 : i32 to vector<16xi32>
        %max3A_556 = arith.maxsi %max3A_555, %add3A_519 : vector<16xi32>
        %min3A_557 = vector.broadcast %jit3A_554 : i32 to vector<16xi32>
        %min3A_558 = arith.minsi %min3A_557, %max3A_556 : vector<16xi32>
        %jit3A_559 = arith.constant 0 : i32
        %jit3A_560 = arith.constant 63 : i32
        %max3A_561 = vector.broadcast %jit3A_559 : i32 to vector<16xi32>
        %max3A_562 = arith.maxsi %max3A_561, %add3A_524 : vector<16xi32>
        %min3A_563 = vector.broadcast %jit3A_560 : i32 to vector<16xi32>
        %min3A_564 = arith.minsi %min3A_563, %max3A_562 : vector<16xi32>
        %jit3A_565 = arith.constant 0 : i32
        %jit3A_566 = arith.constant 63 : i32
        %max3A_567 = vector.broadcast %jit3A_565 : i32 to vector<16xi32>
        %max3A_568 = arith.maxsi %max3A_567, %add3A_529 : vector<16xi32>
        %min3A_569 = vector.broadcast %jit3A_566 : i32 to vector<16xi32>
        %min3A_570 = arith.minsi %min3A_569, %max3A_568 : vector<16xi32>
        %get3A_571 = arith.constant 80 : index
        %get3A_572 = tpu.vector_load %arg12[%get3A_571] {strides = array<i32>} : memref<128xi32, #tpu.memory_space<vmem>>, vector<16xi32>,
        %get3A_573 = vector.shape_cast %get3A_572 : vector<16xi32> to vector<16xi32>
        %mul3A_574 = arith.constant 262144 : i32
        %mul3A_575 = vector.broadcast %mul3A_574 : i32 to vector<16xi32>
        %mul3A_576 = arith.muli %get3A_573, %mul3A_575 : vector<16xi32>
        %mul3A_577 = arith.constant 4096 : i32
        %mul3A_578 = vector.broadcast %mul3A_577 : i32 to vector<16xi32>
        %mul3A_579 = arith.muli %min3A_558, %mul3A_578 : vector<16xi32>
        %add3A_580 = arith.addi %mul3A_576, %mul3A_579 : vector<16xi32>
        %mul3A_581 = arith.constant 64 : i32
        %mul3A_582 = vector.broadcast %mul3A_581 : i32 to vector<16xi32>
        %mul3A_583 = arith.muli %min3A_564, %mul3A_582 : vector<16xi32>
        %add3A_584 = arith.addi %add3A_580, %mul3A_583 : vector<16xi32>
        %add3A_585 = arith.addi %add3A_584, %min3A_570 : vector<16xi32>
        %swap3A_586 = arith.constant 80 : index
        %swap3A_587 = tpu.vector_load %arg13[%swap3A_586] {strides = array<i32>} : memref<128xi32, #tpu.memory_space<vmem>>, vector<16xi32>,
        %swap3A_588 = vector.shape_cast %swap3A_587 : vector<16xi32> to vector<16xi32>
        %swap3A_589 = vector.shape_cast %add3A_585 : vector<16xi32> to vector<16xi32>
        tpu.vector_store %arg13[%swap3A_586], %swap3A_589 {strides = array<i32>} : memref<128xi32, #tpu.memory_space<vmem>>, vector<16xi32>,
        %broadcast_in_dim3A_590 = arith.constant 1 : i32
        %broadcast_in_dim3A_591 = vector.broadcast %broadcast_in_dim3A_590 : i32 to vector<16xi32>
        %broadcast_in_dim3A_592 = arith.constant 0 : i32
        %broadcast_in_dim3A_593 = vector.broadcast %broadcast_in_dim3A_592 : i32 to vector<16xi32>
        %select_n3A_594 = arith.select %and3A_552, %broadcast_in_dim3A_591, %broadcast_in_dim3A_593 : vector<16xi1>, vector<16xi32>
        %swap3A_595 = arith.constant 80 : index
        %swap3A_596 = tpu.vector_load %arg14[%swap3A_595] {strides = array<i32>} : memref<128xi32, #tpu.memory_space<vmem>>, vector<16xi32>,
        %swap3A_597 = vector.shape_cast %swap3A_596 : vector<16xi32> to vector<16xi32>
        %swap3A_598 = vector.shape_cast %select_n3A_594 : vector<16xi32> to vector<16xi32>
        tpu.vector_store %arg14[%swap3A_595], %swap3A_598 {strides = array<i32>} : memref<128xi32, #tpu.memory_space<vmem>>, vector<16xi32>,
        %get3A_599 = arith.constant 96 : index
        %get3A_600 = tpu.vector_load %arg9[%get3A_599] {strides = array<i32>} : memref<128xi32, #tpu.memory_space<vmem>>, vector<16xi32>,
        %get3A_601 = vector.shape_cast %get3A_600 : vector<16xi32> to vector<16xi32>
        %add3A_602 = vector.broadcast %sub3A_42 : i32 to vector<16xi32>
        %add3A_603 = arith.addi %get3A_601, %add3A_602 : vector<16xi32>
        %get3A_604 = arith.constant 96 : index
        %get3A_605 = tpu.vector_load %arg10[%get3A_604] {strides = array<i32>} : memref<128xi32, #tpu.memory_space<vmem>>, vector<16xi32>,
        %get3A_606 = vector.shape_cast %get3A_605 : vector<16xi32> to vector<16xi32>
        %add3A_607 = vector.broadcast %sub3A_82 : i32 to vector<16xi32>
        %add3A_608 = arith.addi %get3A_606, %add3A_607 : vector<16xi32>
        %get3A_609 = arith.constant 96 : index
        %get3A_610 = tpu.vector_load %arg11[%get3A_609] {strides = array<i32>} : memref<128xi32, #tpu.memory_space<vmem>>, vector<16xi32>,
        %get3A_611 = vector.shape_cast %get3A_610 : vector<16xi32> to vector<16xi32>
        %add3A_612 = vector.broadcast %sub3A_100 : i32 to vector<16xi32>
        %add3A_613 = arith.addi %get3A_611, %add3A_612 : vector<16xi32>
        %ge3A_614 = arith.constant 0 : i32
        %ge3A_615 = vector.broadcast %ge3A_614 : i32 to vector<16xi32>
        %ge3A_616 = arith.cmpi sge, %add3A_603, %ge3A_615 : vector<16xi32>
        %lt3A_617 = arith.constant 64 : i32
        %lt3A_618 = vector.broadcast %lt3A_617 : i32 to vector<16xi32>
        %lt3A_619 = arith.cmpi slt, %add3A_603, %lt3A_618 : vector<16xi32>
        %and3A_620 = arith.andi %ge3A_616, %lt3A_619 : vector<16xi1>
        %ge3A_621 = arith.constant 0 : i32
        %ge3A_622 = vector.broadcast %ge3A_621 : i32 to vector<16xi32>
        %ge3A_623 = arith.cmpi sge, %add3A_608, %ge3A_622 : vector<16xi32>
        %and3A_624 = arith.andi %and3A_620, %ge3A_623 : vector<16xi1>
        %lt3A_625 = arith.constant 64 : i32
        %lt3A_626 = vector.broadcast %lt3A_625 : i32 to vector<16xi32>
        %lt3A_627 = arith.cmpi slt, %add3A_608, %lt3A_626 : vector<16xi32>
        %and3A_628 = arith.andi %and3A_624, %lt3A_627 : vector<16xi1>
        %ge3A_629 = arith.constant 0 : i32
        %ge3A_630 = vector.broadcast %ge3A_629 : i32 to vector<16xi32>
        %ge3A_631 = arith.cmpi sge, %add3A_613, %ge3A_630 : vector<16xi32>
        %and3A_632 = arith.andi %and3A_628, %ge3A_631 : vector<16xi1>
        %lt3A_633 = arith.constant 64 : i32
        %lt3A_634 = vector.broadcast %lt3A_633 : i32 to vector<16xi32>
        %lt3A_635 = arith.cmpi slt, %add3A_613, %lt3A_634 : vector<16xi32>
        %and3A_636 = arith.andi %and3A_632, %lt3A_635 : vector<16xi1>
        %jit3A_637 = arith.constant 0 : i32
        %jit3A_638 = arith.constant 63 : i32
        %max3A_639 = vector.broadcast %jit3A_637 : i32 to vector<16xi32>
        %max3A_640 = arith.maxsi %max3A_639, %add3A_603 : vector<16xi32>
        %min3A_641 = vector.broadcast %jit3A_638 : i32 to vector<16xi32>
        %min3A_642 = arith.minsi %min3A_641, %max3A_640 : vector<16xi32>
        %jit3A_643 = arith.constant 0 : i32
        %jit3A_644 = arith.constant 63 : i32
        %max3A_645 = vector.broadcast %jit3A_643 : i32 to vector<16xi32>
        %max3A_646 = arith.maxsi %max3A_645, %add3A_608 : vector<16xi32>
        %min3A_647 = vector.broadcast %jit3A_644 : i32 to vector<16xi32>
        %min3A_648 = arith.minsi %min3A_647, %max3A_646 : vector<16xi32>
        %jit3A_649 = arith.constant 0 : i32
        %jit3A_650 = arith.constant 63 : i32
        %max3A_651 = vector.broadcast %jit3A_649 : i32 to vector<16xi32>
        %max3A_652 = arith.maxsi %max3A_651, %add3A_613 : vector<16xi32>
        %min3A_653 = vector.broadcast %jit3A_650 : i32 to vector<16xi32>
        %min3A_654 = arith.minsi %min3A_653, %max3A_652 : vector<16xi32>
        %get3A_655 = arith.constant 96 : index
        %get3A_656 = tpu.vector_load %arg12[%get3A_655] {strides = array<i32>} : memref<128xi32, #tpu.memory_space<vmem>>, vector<16xi32>,
        %get3A_657 = vector.shape_cast %get3A_656 : vector<16xi32> to vector<16xi32>
        %mul3A_658 = arith.constant 262144 : i32
        %mul3A_659 = vector.broadcast %mul3A_658 : i32 to vector<16xi32>
        %mul3A_660 = arith.muli %get3A_657, %mul3A_659 : vector<16xi32>
        %mul3A_661 = arith.constant 4096 : i32
        %mul3A_662 = vector.broadcast %mul3A_661 : i32 to vector<16xi32>
        %mul3A_663 = arith.muli %min3A_642, %mul3A_662 : vector<16xi32>
        %add3A_664 = arith.addi %mul3A_660, %mul3A_663 : vector<16xi32>
        %mul3A_665 = arith.constant 64 : i32
        %mul3A_666 = vector.broadcast %mul3A_665 : i32 to vector<16xi32>
        %mul3A_667 = arith.muli %min3A_648, %mul3A_666 : vector<16xi32>
        %add3A_668 = arith.addi %add3A_664, %mul3A_667 : vector<16xi32>
        %add3A_669 = arith.addi %add3A_668, %min3A_654 : vector<16xi32>
        %swap3A_670 = arith.constant 96 : index
        %swap3A_671 = tpu.vector_load %arg13[%swap3A_670] {strides = array<i32>} : memref<128xi32, #tpu.memory_space<vmem>>, vector<16xi32>,
        %swap3A_672 = vector.shape_cast %swap3A_671 : vector<16xi32> to vector<16xi32>
        %swap3A_673 = vector.shape_cast %add3A_669 : vector<16xi32> to vector<16xi32>
        tpu.vector_store %arg13[%swap3A_670], %swap3A_673 {strides = array<i32>} : memref<128xi32, #tpu.memory_space<vmem>>, vector<16xi32>,
        %broadcast_in_dim3A_674 = arith.constant 1 : i32
        %broadcast_in_dim3A_675 = vector.broadcast %broadcast_in_dim3A_674 : i32 to vector<16xi32>
        %broadcast_in_dim3A_676 = arith.constant 0 : i32
        %broadcast_in_dim3A_677 = vector.broadcast %broadcast_in_dim3A_676 : i32 to vector<16xi32>
        %select_n3A_678 = arith.select %and3A_636, %broadcast_in_dim3A_675, %broadcast_in_dim3A_677 : vector<16xi1>, vector<16xi32>
        %swap3A_679 = arith.constant 96 : index
        %swap3A_680 = tpu.vector_load %arg14[%swap3A_679] {strides = array<i32>} : memref<128xi32, #tpu.memory_space<vmem>>, vector<16xi32>,
        %swap3A_681 = vector.shape_cast %swap3A_680 : vector<16xi32> to vector<16xi32>
        %swap3A_682 = vector.shape_cast %select_n3A_678 : vector<16xi32> to vector<16xi32>
        tpu.vector_store %arg14[%swap3A_679], %swap3A_682 {strides = array<i32>} : memref<128xi32, #tpu.memory_space<vmem>>, vector<16xi32>,
        %get3A_683 = arith.constant 112 : index
        %get3A_684 = tpu.vector_load %arg9[%get3A_683] {strides = array<i32>} : memref<128xi32, #tpu.memory_space<vmem>>, vector<16xi32>,
        %get3A_685 = vector.shape_cast %get3A_684 : vector<16xi32> to vector<16xi32>
        %add3A_686 = vector.broadcast %sub3A_42 : i32 to vector<16xi32>
        %add3A_687 = arith.addi %get3A_685, %add3A_686 : vector<16xi32>
        %get3A_688 = arith.constant 112 : index
        %get3A_689 = tpu.vector_load %arg10[%get3A_688] {strides = array<i32>} : memref<128xi32, #tpu.memory_space<vmem>>, vector<16xi32>,
        %get3A_690 = vector.shape_cast %get3A_689 : vector<16xi32> to vector<16xi32>
        %add3A_691 = vector.broadcast %sub3A_82 : i32 to vector<16xi32>
        %add3A_692 = arith.addi %get3A_690, %add3A_691 : vector<16xi32>
        %get3A_693 = arith.constant 112 : index
        %get3A_694 = tpu.vector_load %arg11[%get3A_693] {strides = array<i32>} : memref<128xi32, #tpu.memory_space<vmem>>, vector<16xi32>,
        %get3A_695 = vector.shape_cast %get3A_694 : vector<16xi32> to vector<16xi32>
        %add3A_696 = vector.broadcast %sub3A_100 : i32 to vector<16xi32>
        %add3A_697 = arith.addi %get3A_695, %add3A_696 : vector<16xi32>
        %ge3A_698 = arith.constant 0 : i32
        %ge3A_699 = vector.broadcast %ge3A_698 : i32 to vector<16xi32>
        %ge3A_700 = arith.cmpi sge, %add3A_687, %ge3A_699 : vector<16xi32>
        %lt3A_701 = arith.constant 64 : i32
        %lt3A_702 = vector.broadcast %lt3A_701 : i32 to vector<16xi32>
        %lt3A_703 = arith.cmpi slt, %add3A_687, %lt3A_702 : vector<16xi32>
        %and3A_704 = arith.andi %ge3A_700, %lt3A_703 : vector<16xi1>
        %ge3A_705 = arith.constant 0 : i32
        %ge3A_706 = vector.broadcast %ge3A_705 : i32 to vector<16xi32>
        %ge3A_707 = arith.cmpi sge, %add3A_692, %ge3A_706 : vector<16xi32>
        %and3A_708 = arith.andi %and3A_704, %ge3A_707 : vector<16xi1>
        %lt3A_709 = arith.constant 64 : i32
        %lt3A_710 = vector.broadcast %lt3A_709 : i32 to vector<16xi32>
        %lt3A_711 = arith.cmpi slt, %add3A_692, %lt3A_710 : vector<16xi32>
        %and3A_712 = arith.andi %and3A_708, %lt3A_711 : vector<16xi1>
        %ge3A_713 = arith.constant 0 : i32
        %ge3A_714 = vector.broadcast %ge3A_713 : i32 to vector<16xi32>
        %ge3A_715 = arith.cmpi sge, %add3A_697, %ge3A_714 : vector<16xi32>
        %and3A_716 = arith.andi %and3A_712, %ge3A_715 : vector<16xi1>
        %lt3A_717 = arith.constant 64 : i32
        %lt3A_718 = vector.broadcast %lt3A_717 : i32 to vector<16xi32>
        %lt3A_719 = arith.cmpi slt, %add3A_697, %lt3A_718 : vector<16xi32>
        %and3A_720 = arith.andi %and3A_716, %lt3A_719 : vector<16xi1>
        %jit3A_721 = arith.constant 0 : i32
        %jit3A_722 = arith.constant 63 : i32
        %max3A_723 = vector.broadcast %jit3A_721 : i32 to vector<16xi32>
        %max3A_724 = arith.maxsi %max3A_723, %add3A_687 : vector<16xi32>
        %min3A_725 = vector.broadcast %jit3A_722 : i32 to vector<16xi32>
        %min3A_726 = arith.minsi %min3A_725, %max3A_724 : vector<16xi32>
        %jit3A_727 = arith.constant 0 : i32
        %jit3A_728 = arith.constant 63 : i32
        %max3A_729 = vector.broadcast %jit3A_727 : i32 to vector<16xi32>
        %max3A_730 = arith.maxsi %max3A_729, %add3A_692 : vector<16xi32>
        %min3A_731 = vector.broadcast %jit3A_728 : i32 to vector<16xi32>
        %min3A_732 = arith.minsi %min3A_731, %max3A_730 : vector<16xi32>
        %jit3A_733 = arith.constant 0 : i32
        %jit3A_734 = arith.constant 63 : i32
        %max3A_735 = vector.broadcast %jit3A_733 : i32 to vector<16xi32>
        %max3A_736 = arith.maxsi %max3A_735, %add3A_697 : vector<16xi32>
        %min3A_737 = vector.broadcast %jit3A_734 : i32 to vector<16xi32>
        %min3A_738 = arith.minsi %min3A_737, %max3A_736 : vector<16xi32>
        %get3A_739 = arith.constant 112 : index
        %get3A_740 = tpu.vector_load %arg12[%get3A_739] {strides = array<i32>} : memref<128xi32, #tpu.memory_space<vmem>>, vector<16xi32>,
        %get3A_741 = vector.shape_cast %get3A_740 : vector<16xi32> to vector<16xi32>
        %mul3A_742 = arith.constant 262144 : i32
        %mul3A_743 = vector.broadcast %mul3A_742 : i32 to vector<16xi32>
        %mul3A_744 = arith.muli %get3A_741, %mul3A_743 : vector<16xi32>
        %mul3A_745 = arith.constant 4096 : i32
        %mul3A_746 = vector.broadcast %mul3A_745 : i32 to vector<16xi32>
        %mul3A_747 = arith.muli %min3A_726, %mul3A_746 : vector<16xi32>
        %add3A_748 = arith.addi %mul3A_744, %mul3A_747 : vector<16xi32>
        %mul3A_749 = arith.constant 64 : i32
        %mul3A_750 = vector.broadcast %mul3A_749 : i32 to vector<16xi32>
        %mul3A_751 = arith.muli %min3A_732, %mul3A_750 : vector<16xi32>
        %add3A_752 = arith.addi %add3A_748, %mul3A_751 : vector<16xi32>
        %add3A_753 = arith.addi %add3A_752, %min3A_738 : vector<16xi32>
        %swap3A_754 = arith.constant 112 : index
        %swap3A_755 = tpu.vector_load %arg13[%swap3A_754] {strides = array<i32>} : memref<128xi32, #tpu.memory_space<vmem>>, vector<16xi32>,
        %swap3A_756 = vector.shape_cast %swap3A_755 : vector<16xi32> to vector<16xi32>
        %swap3A_757 = vector.shape_cast %add3A_753 : vector<16xi32> to vector<16xi32>
        tpu.vector_store %arg13[%swap3A_754], %swap3A_757 {strides = array<i32>} : memref<128xi32, #tpu.memory_space<vmem>>, vector<16xi32>,
        %broadcast_in_dim3A_758 = arith.constant 1 : i32
        %broadcast_in_dim3A_759 = vector.broadcast %broadcast_in_dim3A_758 : i32 to vector<16xi32>
        %broadcast_in_dim3A_760 = arith.constant 0 : i32
        %broadcast_in_dim3A_761 = vector.broadcast %broadcast_in_dim3A_760 : i32 to vector<16xi32>
        %select_n3A_762 = arith.select %and3A_720, %broadcast_in_dim3A_759, %broadcast_in_dim3A_761 : vector<16xi1>, vector<16xi32>
        %swap3A_763 = arith.constant 112 : index
        %swap3A_764 = tpu.vector_load %arg14[%swap3A_763] {strides = array<i32>} : memref<128xi32, #tpu.memory_space<vmem>>, vector<16xi32>,
        %swap3A_765 = vector.shape_cast %swap3A_764 : vector<16xi32> to vector<16xi32>
        %swap3A_766 = vector.shape_cast %select_n3A_762 : vector<16xi32> to vector<16xi32>
        tpu.vector_store %arg14[%swap3A_763], %swap3A_766 {strides = array<i32>} : memref<128xi32, #tpu.memory_space<vmem>>, vector<16xi32>,
        "tpu.region"() ({
          %run_scoped3A = tpu.sem_alloc : memref<!tpu.dma_semaphore, #tpu.memory_space<semaphore_mem>>
          %dma_start3A = arith.constant 0 : i32
          %dma_start3A_973 = tpu.memref_slice %arg3[%dma_start3A] : memref<2097152xi32, #tpu.memory_space<hbm>> -> memref<2097152xi32, #tpu.memory_space<hbm>>
          tpu.enqueue_indirect_dma source(%dma_start3A_973 : memref<2097152xi32, #tpu.memory_space<hbm>>) target(%arg15 : memref<128xi32, #tpu.memory_space<vmem>>) offsets(%arg13 : memref<128xi32, #tpu.memory_space<vmem>>) semaphore(%run_scoped3A : memref<!tpu.dma_semaphore, #tpu.memory_space<semaphore_mem>>)
          %dma_wait3A = arith.constant 0 : i32
          %dma_wait3A_974 = tpu.memref_slice %arg3[%dma_wait3A] : memref<2097152xi32, #tpu.memory_space<hbm>> -> memref<2097152xi32, #tpu.memory_space<hbm>>
          tpu.wait_indirect_dma semaphore(%run_scoped3A : memref<!tpu.dma_semaphore, #tpu.memory_space<semaphore_mem>>) src(%dma_wait3A_974 : memref<2097152xi32, #tpu.memory_space<hbm>>) dst(%arg15 : memref<128xi32, #tpu.memory_space<vmem>>)
          tpu.yield
        }) : () -> ()
        %get3A_767 = arith.constant 0 : index
        %get3A_768 = tpu.vector_load %arg15[%get3A_767] {strides = array<i32>} : memref<128xi32, #tpu.memory_space<vmem>>, vector<16xi32>,
        %get3A_769 = vector.shape_cast %get3A_768 : vector<16xi32> to vector<16xi32>
        %get3A_770 = arith.constant 0 : index
        %get3A_771 = tpu.vector_load %arg14[%get3A_770] {strides = array<i32>} : memref<128xi32, #tpu.memory_space<vmem>>, vector<16xi32>,
        %get3A_772 = vector.shape_cast %get3A_771 : vector<16xi32> to vector<16xi32>
        %eq3A_773 = arith.constant 1 : i32
        %eq3A_774 = vector.broadcast %eq3A_773 : i32 to vector<16xi32>
        %eq3A_775 = arith.cmpi eq, %get3A_772, %eq3A_774 : vector<16xi32>
        %ge3A_776 = arith.constant 0 : i32
        %ge3A_777 = vector.broadcast %ge3A_776 : i32 to vector<16xi32>
        %ge3A_778 = arith.cmpi sge, %get3A_769, %ge3A_777 : vector<16xi32>
        %and3A_779 = arith.andi %eq3A_775, %ge3A_778 : vector<16xi1>
        %mul3A_780 = arith.constant 8192 : i32
        %mul3A_781 = arith.muli %scan3A_24, %mul3A_780 : i32
        %add3A_782 = vector.broadcast %mul3A_781 : i32 to vector<16xi32>
        %add3A_783 = arith.addi %add3A_782, %get3A_769 : vector<16xi32>
        %add3A_784 = arith.constant 221184 : i32
        %add3A_785 = vector.broadcast %add3A_784 : i32 to vector<16xi32>
        %add3A_786 = arith.addi %add3A_785, %iota3A : vector<16xi32>
        %select_n3A_787 = arith.select %and3A_779, %add3A_783, %add3A_786 : vector<16xi1>, vector<16xi32>
        %swap3A_788 = arith.constant 0 : index
        %swap3A_789 = tpu.vector_load %arg16[%swap3A_788] {strides = array<i32>} : memref<128xi32, #tpu.memory_space<vmem>>, vector<16xi32>,
        %swap3A_790 = vector.shape_cast %swap3A_789 : vector<16xi32> to vector<16xi32>
        %swap3A_791 = vector.shape_cast %select_n3A_787 : vector<16xi32> to vector<16xi32>
        tpu.vector_store %arg16[%swap3A_788], %swap3A_791 {strides = array<i32>} : memref<128xi32, #tpu.memory_space<vmem>>, vector<16xi32>,
        %get3A_792 = arith.constant 16 : index
        %get3A_793 = tpu.vector_load %arg15[%get3A_792] {strides = array<i32>} : memref<128xi32, #tpu.memory_space<vmem>>, vector<16xi32>,
        %get3A_794 = vector.shape_cast %get3A_793 : vector<16xi32> to vector<16xi32>
        %get3A_795 = arith.constant 16 : index
        %get3A_796 = tpu.vector_load %arg14[%get3A_795] {strides = array<i32>} : memref<128xi32, #tpu.memory_space<vmem>>, vector<16xi32>,
        %get3A_797 = vector.shape_cast %get3A_796 : vector<16xi32> to vector<16xi32>
        %eq3A_798 = arith.constant 1 : i32
        %eq3A_799 = vector.broadcast %eq3A_798 : i32 to vector<16xi32>
        %eq3A_800 = arith.cmpi eq, %get3A_797, %eq3A_799 : vector<16xi32>
        %ge3A_801 = arith.constant 0 : i32
        %ge3A_802 = vector.broadcast %ge3A_801 : i32 to vector<16xi32>
        %ge3A_803 = arith.cmpi sge, %get3A_794, %ge3A_802 : vector<16xi32>
        %and3A_804 = arith.andi %eq3A_800, %ge3A_803 : vector<16xi1>
        %mul3A_805 = arith.constant 8192 : i32
        %mul3A_806 = arith.muli %scan3A_24, %mul3A_805 : i32
        %add3A_807 = vector.broadcast %mul3A_806 : i32 to vector<16xi32>
        %add3A_808 = arith.addi %add3A_807, %get3A_794 : vector<16xi32>
        %add3A_809 = arith.constant 221200 : i32
        %add3A_810 = vector.broadcast %add3A_809 : i32 to vector<16xi32>
        %add3A_811 = arith.addi %add3A_810, %iota3A : vector<16xi32>
        %select_n3A_812 = arith.select %and3A_804, %add3A_808, %add3A_811 : vector<16xi1>, vector<16xi32>
        %swap3A_813 = arith.constant 16 : index
        %swap3A_814 = tpu.vector_load %arg16[%swap3A_813] {strides = array<i32>} : memref<128xi32, #tpu.memory_space<vmem>>, vector<16xi32>,
        %swap3A_815 = vector.shape_cast %swap3A_814 : vector<16xi32> to vector<16xi32>
        %swap3A_816 = vector.shape_cast %select_n3A_812 : vector<16xi32> to vector<16xi32>
        tpu.vector_store %arg16[%swap3A_813], %swap3A_816 {strides = array<i32>} : memref<128xi32, #tpu.memory_space<vmem>>, vector<16xi32>,
        %get3A_817 = arith.constant 32 : index
        %get3A_818 = tpu.vector_load %arg15[%get3A_817] {strides = array<i32>} : memref<128xi32, #tpu.memory_space<vmem>>, vector<16xi32>,
        %get3A_819 = vector.shape_cast %get3A_818 : vector<16xi32> to vector<16xi32>
        %get3A_820 = arith.constant 32 : index
        %get3A_821 = tpu.vector_load %arg14[%get3A_820] {strides = array<i32>} : memref<128xi32, #tpu.memory_space<vmem>>, vector<16xi32>,
        %get3A_822 = vector.shape_cast %get3A_821 : vector<16xi32> to vector<16xi32>
        %eq3A_823 = arith.constant 1 : i32
        %eq3A_824 = vector.broadcast %eq3A_823 : i32 to vector<16xi32>
        %eq3A_825 = arith.cmpi eq, %get3A_822, %eq3A_824 : vector<16xi32>
        %ge3A_826 = arith.constant 0 : i32
        %ge3A_827 = vector.broadcast %ge3A_826 : i32 to vector<16xi32>
        %ge3A_828 = arith.cmpi sge, %get3A_819, %ge3A_827 : vector<16xi32>
        %and3A_829 = arith.andi %eq3A_825, %ge3A_828 : vector<16xi1>
        %mul3A_830 = arith.constant 8192 : i32
        %mul3A_831 = arith.muli %scan3A_24, %mul3A_830 : i32
        %add3A_832 = vector.broadcast %mul3A_831 : i32 to vector<16xi32>
        %add3A_833 = arith.addi %add3A_832, %get3A_819 : vector<16xi32>
        %add3A_834 = arith.constant 221216 : i32
        %add3A_835 = vector.broadcast %add3A_834 : i32 to vector<16xi32>
        %add3A_836 = arith.addi %add3A_835, %iota3A : vector<16xi32>
        %select_n3A_837 = arith.select %and3A_829, %add3A_833, %add3A_836 : vector<16xi1>, vector<16xi32>
        %swap3A_838 = arith.constant 32 : index
        %swap3A_839 = tpu.vector_load %arg16[%swap3A_838] {strides = array<i32>} : memref<128xi32, #tpu.memory_space<vmem>>, vector<16xi32>,
        %swap3A_840 = vector.shape_cast %swap3A_839 : vector<16xi32> to vector<16xi32>
        %swap3A_841 = vector.shape_cast %select_n3A_837 : vector<16xi32> to vector<16xi32>
        tpu.vector_store %arg16[%swap3A_838], %swap3A_841 {strides = array<i32>} : memref<128xi32, #tpu.memory_space<vmem>>, vector<16xi32>,
        %get3A_842 = arith.constant 48 : index
        %get3A_843 = tpu.vector_load %arg15[%get3A_842] {strides = array<i32>} : memref<128xi32, #tpu.memory_space<vmem>>, vector<16xi32>,
        %get3A_844 = vector.shape_cast %get3A_843 : vector<16xi32> to vector<16xi32>
        %get3A_845 = arith.constant 48 : index
        %get3A_846 = tpu.vector_load %arg14[%get3A_845] {strides = array<i32>} : memref<128xi32, #tpu.memory_space<vmem>>, vector<16xi32>,
        %get3A_847 = vector.shape_cast %get3A_846 : vector<16xi32> to vector<16xi32>
        %eq3A_848 = arith.constant 1 : i32
        %eq3A_849 = vector.broadcast %eq3A_848 : i32 to vector<16xi32>
        %eq3A_850 = arith.cmpi eq, %get3A_847, %eq3A_849 : vector<16xi32>
        %ge3A_851 = arith.constant 0 : i32
        %ge3A_852 = vector.broadcast %ge3A_851 : i32 to vector<16xi32>
        %ge3A_853 = arith.cmpi sge, %get3A_844, %ge3A_852 : vector<16xi32>
        %and3A_854 = arith.andi %eq3A_850, %ge3A_853 : vector<16xi1>
        %mul3A_855 = arith.constant 8192 : i32
        %mul3A_856 = arith.muli %scan3A_24, %mul3A_855 : i32
        %add3A_857 = vector.broadcast %mul3A_856 : i32 to vector<16xi32>
        %add3A_858 = arith.addi %add3A_857, %get3A_844 : vector<16xi32>
        %add3A_859 = arith.constant 221232 : i32
        %add3A_860 = vector.broadcast %add3A_859 : i32 to vector<16xi32>
        %add3A_861 = arith.addi %add3A_860, %iota3A : vector<16xi32>
        %select_n3A_862 = arith.select %and3A_854, %add3A_858, %add3A_861 : vector<16xi1>, vector<16xi32>
        %swap3A_863 = arith.constant 48 : index
        %swap3A_864 = tpu.vector_load %arg16[%swap3A_863] {strides = array<i32>} : memref<128xi32, #tpu.memory_space<vmem>>, vector<16xi32>,
        %swap3A_865 = vector.shape_cast %swap3A_864 : vector<16xi32> to vector<16xi32>
        %swap3A_866 = vector.shape_cast %select_n3A_862 : vector<16xi32> to vector<16xi32>
        tpu.vector_store %arg16[%swap3A_863], %swap3A_866 {strides = array<i32>} : memref<128xi32, #tpu.memory_space<vmem>>, vector<16xi32>,
        %get3A_867 = arith.constant 64 : index
        %get3A_868 = tpu.vector_load %arg15[%get3A_867] {strides = array<i32>} : memref<128xi32, #tpu.memory_space<vmem>>, vector<16xi32>,
        %get3A_869 = vector.shape_cast %get3A_868 : vector<16xi32> to vector<16xi32>
        %get3A_870 = arith.constant 64 : index
        %get3A_871 = tpu.vector_load %arg14[%get3A_870] {strides = array<i32>} : memref<128xi32, #tpu.memory_space<vmem>>, vector<16xi32>,
        %get3A_872 = vector.shape_cast %get3A_871 : vector<16xi32> to vector<16xi32>
        %eq3A_873 = arith.constant 1 : i32
        %eq3A_874 = vector.broadcast %eq3A_873 : i32 to vector<16xi32>
        %eq3A_875 = arith.cmpi eq, %get3A_872, %eq3A_874 : vector<16xi32>
        %ge3A_876 = arith.constant 0 : i32
        %ge3A_877 = vector.broadcast %ge3A_876 : i32 to vector<16xi32>
        %ge3A_878 = arith.cmpi sge, %get3A_869, %ge3A_877 : vector<16xi32>
        %and3A_879 = arith.andi %eq3A_875, %ge3A_878 : vector<16xi1>
        %mul3A_880 = arith.constant 8192 : i32
        %mul3A_881 = arith.muli %scan3A_24, %mul3A_880 : i32
        %add3A_882 = vector.broadcast %mul3A_881 : i32 to vector<16xi32>
        %add3A_883 = arith.addi %add3A_882, %get3A_869 : vector<16xi32>
        %add3A_884 = arith.constant 221248 : i32
        %add3A_885 = vector.broadcast %add3A_884 : i32 to vector<16xi32>
        %add3A_886 = arith.addi %add3A_885, %iota3A : vector<16xi32>
        %select_n3A_887 = arith.select %and3A_879, %add3A_883, %add3A_886 : vector<16xi1>, vector<16xi32>
        %swap3A_888 = arith.constant 64 : index
        %swap3A_889 = tpu.vector_load %arg16[%swap3A_888] {strides = array<i32>} : memref<128xi32, #tpu.memory_space<vmem>>, vector<16xi32>,
        %swap3A_890 = vector.shape_cast %swap3A_889 : vector<16xi32> to vector<16xi32>
        %swap3A_891 = vector.shape_cast %select_n3A_887 : vector<16xi32> to vector<16xi32>
        tpu.vector_store %arg16[%swap3A_888], %swap3A_891 {strides = array<i32>} : memref<128xi32, #tpu.memory_space<vmem>>, vector<16xi32>,
        %get3A_892 = arith.constant 80 : index
        %get3A_893 = tpu.vector_load %arg15[%get3A_892] {strides = array<i32>} : memref<128xi32, #tpu.memory_space<vmem>>, vector<16xi32>,
        %get3A_894 = vector.shape_cast %get3A_893 : vector<16xi32> to vector<16xi32>
        %get3A_895 = arith.constant 80 : index
        %get3A_896 = tpu.vector_load %arg14[%get3A_895] {strides = array<i32>} : memref<128xi32, #tpu.memory_space<vmem>>, vector<16xi32>,
        %get3A_897 = vector.shape_cast %get3A_896 : vector<16xi32> to vector<16xi32>
        %eq3A_898 = arith.constant 1 : i32
        %eq3A_899 = vector.broadcast %eq3A_898 : i32 to vector<16xi32>
        %eq3A_900 = arith.cmpi eq, %get3A_897, %eq3A_899 : vector<16xi32>
        %ge3A_901 = arith.constant 0 : i32
        %ge3A_902 = vector.broadcast %ge3A_901 : i32 to vector<16xi32>
        %ge3A_903 = arith.cmpi sge, %get3A_894, %ge3A_902 : vector<16xi32>
        %and3A_904 = arith.andi %eq3A_900, %ge3A_903 : vector<16xi1>
        %mul3A_905 = arith.constant 8192 : i32
        %mul3A_906 = arith.muli %scan3A_24, %mul3A_905 : i32
        %add3A_907 = vector.broadcast %mul3A_906 : i32 to vector<16xi32>
        %add3A_908 = arith.addi %add3A_907, %get3A_894 : vector<16xi32>
        %add3A_909 = arith.constant 221264 : i32
        %add3A_910 = vector.broadcast %add3A_909 : i32 to vector<16xi32>
        %add3A_911 = arith.addi %add3A_910, %iota3A : vector<16xi32>
        %select_n3A_912 = arith.select %and3A_904, %add3A_908, %add3A_911 : vector<16xi1>, vector<16xi32>
        %swap3A_913 = arith.constant 80 : index
        %swap3A_914 = tpu.vector_load %arg16[%swap3A_913] {strides = array<i32>} : memref<128xi32, #tpu.memory_space<vmem>>, vector<16xi32>,
        %swap3A_915 = vector.shape_cast %swap3A_914 : vector<16xi32> to vector<16xi32>
        %swap3A_916 = vector.shape_cast %select_n3A_912 : vector<16xi32> to vector<16xi32>
        tpu.vector_store %arg16[%swap3A_913], %swap3A_916 {strides = array<i32>} : memref<128xi32, #tpu.memory_space<vmem>>, vector<16xi32>,
        %get3A_917 = arith.constant 96 : index
        %get3A_918 = tpu.vector_load %arg15[%get3A_917] {strides = array<i32>} : memref<128xi32, #tpu.memory_space<vmem>>, vector<16xi32>,
        %get3A_919 = vector.shape_cast %get3A_918 : vector<16xi32> to vector<16xi32>
        %get3A_920 = arith.constant 96 : index
        %get3A_921 = tpu.vector_load %arg14[%get3A_920] {strides = array<i32>} : memref<128xi32, #tpu.memory_space<vmem>>, vector<16xi32>,
        %get3A_922 = vector.shape_cast %get3A_921 : vector<16xi32> to vector<16xi32>
        %eq3A_923 = arith.constant 1 : i32
        %eq3A_924 = vector.broadcast %eq3A_923 : i32 to vector<16xi32>
        %eq3A_925 = arith.cmpi eq, %get3A_922, %eq3A_924 : vector<16xi32>
        %ge3A_926 = arith.constant 0 : i32
        %ge3A_927 = vector.broadcast %ge3A_926 : i32 to vector<16xi32>
        %ge3A_928 = arith.cmpi sge, %get3A_919, %ge3A_927 : vector<16xi32>
        %and3A_929 = arith.andi %eq3A_925, %ge3A_928 : vector<16xi1>
        %mul3A_930 = arith.constant 8192 : i32
        %mul3A_931 = arith.muli %scan3A_24, %mul3A_930 : i32
        %add3A_932 = vector.broadcast %mul3A_931 : i32 to vector<16xi32>
        %add3A_933 = arith.addi %add3A_932, %get3A_919 : vector<16xi32>
        %add3A_934 = arith.constant 221280 : i32
        %add3A_935 = vector.broadcast %add3A_934 : i32 to vector<16xi32>
        %add3A_936 = arith.addi %add3A_935, %iota3A : vector<16xi32>
        %select_n3A_937 = arith.select %and3A_929, %add3A_933, %add3A_936 : vector<16xi1>, vector<16xi32>
        %swap3A_938 = arith.constant 96 : index
        %swap3A_939 = tpu.vector_load %arg16[%swap3A_938] {strides = array<i32>} : memref<128xi32, #tpu.memory_space<vmem>>, vector<16xi32>,
        %swap3A_940 = vector.shape_cast %swap3A_939 : vector<16xi32> to vector<16xi32>
        %swap3A_941 = vector.shape_cast %select_n3A_937 : vector<16xi32> to vector<16xi32>
        tpu.vector_store %arg16[%swap3A_938], %swap3A_941 {strides = array<i32>} : memref<128xi32, #tpu.memory_space<vmem>>, vector<16xi32>,
        %get3A_942 = arith.constant 112 : index
        %get3A_943 = tpu.vector_load %arg15[%get3A_942] {strides = array<i32>} : memref<128xi32, #tpu.memory_space<vmem>>, vector<16xi32>,
        %get3A_944 = vector.shape_cast %get3A_943 : vector<16xi32> to vector<16xi32>
        %get3A_945 = arith.constant 112 : index
        %get3A_946 = tpu.vector_load %arg14[%get3A_945] {strides = array<i32>} : memref<128xi32, #tpu.memory_space<vmem>>, vector<16xi32>,
        %get3A_947 = vector.shape_cast %get3A_946 : vector<16xi32> to vector<16xi32>
        %eq3A_948 = arith.constant 1 : i32
        %eq3A_949 = vector.broadcast %eq3A_948 : i32 to vector<16xi32>
        %eq3A_950 = arith.cmpi eq, %get3A_947, %eq3A_949 : vector<16xi32>
        %ge3A_951 = arith.constant 0 : i32
        %ge3A_952 = vector.broadcast %ge3A_951 : i32 to vector<16xi32>
        %ge3A_953 = arith.cmpi sge, %get3A_944, %ge3A_952 : vector<16xi32>
        %and3A_954 = arith.andi %eq3A_950, %ge3A_953 : vector<16xi1>
        %mul3A_955 = arith.constant 8192 : i32
        %mul3A_956 = arith.muli %scan3A_24, %mul3A_955 : i32
        %add3A_957 = vector.broadcast %mul3A_956 : i32 to vector<16xi32>
        %add3A_958 = arith.addi %add3A_957, %get3A_944 : vector<16xi32>
        %add3A_959 = arith.constant 221296 : i32
        %add3A_960 = vector.broadcast %add3A_959 : i32 to vector<16xi32>
        %add3A_961 = arith.addi %add3A_960, %iota3A : vector<16xi32>
        %select_n3A_962 = arith.select %and3A_954, %add3A_958, %add3A_961 : vector<16xi1>, vector<16xi32>
        %swap3A_963 = arith.constant 112 : index
        %swap3A_964 = tpu.vector_load %arg16[%swap3A_963] {strides = array<i32>} : memref<128xi32, #tpu.memory_space<vmem>>, vector<16xi32>,
        %swap3A_965 = vector.shape_cast %swap3A_964 : vector<16xi32> to vector<16xi32>
        %swap3A_966 = vector.shape_cast %select_n3A_962 : vector<16xi32> to vector<16xi32>
        tpu.vector_store %arg16[%swap3A_963], %swap3A_966 {strides = array<i32>} : memref<128xi32, #tpu.memory_space<vmem>>, vector<16xi32>,
        "tpu.region"() ({
          %run_scoped3A = tpu.sem_alloc : memref<!tpu.dma_semaphore, #tpu.memory_space<semaphore_mem>>
          %dma_start3A = arith.constant 0 : i32
          %dma_start3A_973 = arith.constant 0 : i32
          %dma_start3A_974 = tpu.memref_slice %arg2[%dma_start3A, %dma_start3A_973] : memref<229376x128xf32, #tpu.memory_space<hbm>> -> memref<229376x128xf32, #tpu.memory_space<hbm>>
          tpu.enqueue_indirect_dma source(%dma_start3A_974 : memref<229376x128xf32, #tpu.memory_space<hbm>>) target(%arg17 : memref<128x128xf32, #tpu.memory_space<vmem>>) offsets(%arg16 : memref<128xi32, #tpu.memory_space<vmem>>) semaphore(%run_scoped3A : memref<!tpu.dma_semaphore, #tpu.memory_space<semaphore_mem>>)
          %dma_wait3A = arith.constant 0 : i32
          %dma_wait3A_975 = arith.constant 0 : i32
          %dma_wait3A_976 = tpu.memref_slice %arg2[%dma_wait3A, %dma_wait3A_975] : memref<229376x128xf32, #tpu.memory_space<hbm>> -> memref<229376x128xf32, #tpu.memory_space<hbm>>
          tpu.wait_indirect_dma semaphore(%run_scoped3A : memref<!tpu.dma_semaphore, #tpu.memory_space<semaphore_mem>>) src(%dma_wait3A_976 : memref<229376x128xf32, #tpu.memory_space<hbm>>) dst(%arg17 : memref<128x128xf32, #tpu.memory_space<vmem>>)
          tpu.yield
        }) : () -> ()
        %scan3A_967 = arith.constant 0 : i32
        %scan3A_968 = arith.constant 0 : i32
        %scan3A_969 = arith.constant 128 : i32
        %scan3A_970 = arith.addi %scan3A_968, %scan3A_969 : i32
        %scan3A_971 = arith.constant 1 : i32
        scf.for %scan3A_973 = %scan3A_968 to %scan3A_970 step %scan3A_971  : i32 {
          %get3A_974 = arith.index_cast %scan3A_973 : i32 to index
          %get3A_975 = arith.constant 0 : index
          %get3A_976 = tpu.vector_load %arg17[%get3A_974, %get3A_975] {strides = array<i32>} : memref<128x128xf32, #tpu.memory_space<vmem>>, vector<1x16xf32>,
          %get3A_977 = vector.shape_cast %get3A_976 : vector<1x16xf32> to vector<16xf32>
          %swap3A_978 = arith.index_cast %scan3A_973 : i32 to index
          %swap3A_979 = arith.constant 0 : index
          %swap3A_980 = tpu.vector_load %arg18[%swap3A_978, %swap3A_979] {strides = array<i32>} : memref<128x128xf32, #tpu.memory_space<vmem>>, vector<1x16xf32>,
          %swap3A_981 = vector.shape_cast %swap3A_980 : vector<1x16xf32> to vector<16xf32>
          %swap3A_982 = vector.shape_cast %get3A_977 : vector<16xf32> to vector<1x16xf32>
          tpu.vector_store %arg18[%swap3A_978, %swap3A_979], %swap3A_982 {add = true, strides = array<i32>} : memref<128x128xf32, #tpu.memory_space<vmem>>, vector<1x16xf32>,
          %get3A_983 = arith.index_cast %scan3A_973 : i32 to index
          %get3A_984 = arith.constant 16 : index
          %get3A_985 = tpu.vector_load %arg17[%get3A_983, %get3A_984] {strides = array<i32>} : memref<128x128xf32, #tpu.memory_space<vmem>>, vector<1x16xf32>,
          %get3A_986 = vector.shape_cast %get3A_985 : vector<1x16xf32> to vector<16xf32>
          %swap3A_987 = arith.index_cast %scan3A_973 : i32 to index
          %swap3A_988 = arith.constant 16 : index
          %swap3A_989 = tpu.vector_load %arg18[%swap3A_987, %swap3A_988] {strides = array<i32>} : memref<128x128xf32, #tpu.memory_space<vmem>>, vector<1x16xf32>,
          %swap3A_990 = vector.shape_cast %swap3A_989 : vector<1x16xf32> to vector<16xf32>
          %swap3A_991 = vector.shape_cast %get3A_986 : vector<16xf32> to vector<1x16xf32>
          tpu.vector_store %arg18[%swap3A_987, %swap3A_988], %swap3A_991 {add = true, strides = array<i32>} : memref<128x128xf32, #tpu.memory_space<vmem>>, vector<1x16xf32>,
          %get3A_992 = arith.index_cast %scan3A_973 : i32 to index
          %get3A_993 = arith.constant 32 : index
          %get3A_994 = tpu.vector_load %arg17[%get3A_992, %get3A_993] {strides = array<i32>} : memref<128x128xf32, #tpu.memory_space<vmem>>, vector<1x16xf32>,
          %get3A_995 = vector.shape_cast %get3A_994 : vector<1x16xf32> to vector<16xf32>
          %swap3A_996 = arith.index_cast %scan3A_973 : i32 to index
          %swap3A_997 = arith.constant 32 : index
          %swap3A_998 = tpu.vector_load %arg18[%swap3A_996, %swap3A_997] {strides = array<i32>} : memref<128x128xf32, #tpu.memory_space<vmem>>, vector<1x16xf32>,
          %swap3A_999 = vector.shape_cast %swap3A_998 : vector<1x16xf32> to vector<16xf32>
          %swap3A_1000 = vector.shape_cast %get3A_995 : vector<16xf32> to vector<1x16xf32>
          tpu.vector_store %arg18[%swap3A_996, %swap3A_997], %swap3A_1000 {add = true, strides = array<i32>} : memref<128x128xf32, #tpu.memory_space<vmem>>, vector<1x16xf32>,
          %get3A_1001 = arith.index_cast %scan3A_973 : i32 to index
          %get3A_1002 = arith.constant 48 : index
          %get3A_1003 = tpu.vector_load %arg17[%get3A_1001, %get3A_1002] {strides = array<i32>} : memref<128x128xf32, #tpu.memory_space<vmem>>, vector<1x16xf32>,
          %get3A_1004 = vector.shape_cast %get3A_1003 : vector<1x16xf32> to vector<16xf32>
          %swap3A_1005 = arith.index_cast %scan3A_973 : i32 to index
          %swap3A_1006 = arith.constant 48 : index
          %swap3A_1007 = tpu.vector_load %arg18[%swap3A_1005, %swap3A_1006] {strides = array<i32>} : memref<128x128xf32, #tpu.memory_space<vmem>>, vector<1x16xf32>,
          %swap3A_1008 = vector.shape_cast %swap3A_1007 : vector<1x16xf32> to vector<16xf32>
          %swap3A_1009 = vector.shape_cast %get3A_1004 : vector<16xf32> to vector<1x16xf32>
          tpu.vector_store %arg18[%swap3A_1005, %swap3A_1006], %swap3A_1009 {add = true, strides = array<i32>} : memref<128x128xf32, #tpu.memory_space<vmem>>, vector<1x16xf32>,
          %get3A_1010 = arith.index_cast %scan3A_973 : i32 to index
          %get3A_1011 = arith.constant 64 : index
          %get3A_1012 = tpu.vector_load %arg17[%get3A_1010, %get3A_1011] {strides = array<i32>} : memref<128x128xf32, #tpu.memory_space<vmem>>, vector<1x16xf32>,
          %get3A_1013 = vector.shape_cast %get3A_1012 : vector<1x16xf32> to vector<16xf32>
          %swap3A_1014 = arith.index_cast %scan3A_973 : i32 to index
          %swap3A_1015 = arith.constant 64 : index
          %swap3A_1016 = tpu.vector_load %arg18[%swap3A_1014, %swap3A_1015] {strides = array<i32>} : memref<128x128xf32, #tpu.memory_space<vmem>>, vector<1x16xf32>,
          %swap3A_1017 = vector.shape_cast %swap3A_1016 : vector<1x16xf32> to vector<16xf32>
          %swap3A_1018 = vector.shape_cast %get3A_1013 : vector<16xf32> to vector<1x16xf32>
          tpu.vector_store %arg18[%swap3A_1014, %swap3A_1015], %swap3A_1018 {add = true, strides = array<i32>} : memref<128x128xf32, #tpu.memory_space<vmem>>, vector<1x16xf32>,
          %get3A_1019 = arith.index_cast %scan3A_973 : i32 to index
          %get3A_1020 = arith.constant 80 : index
          %get3A_1021 = tpu.vector_load %arg17[%get3A_1019, %get3A_1020] {strides = array<i32>} : memref<128x128xf32, #tpu.memory_space<vmem>>, vector<1x16xf32>,
          %get3A_1022 = vector.shape_cast %get3A_1021 : vector<1x16xf32> to vector<16xf32>
          %swap3A_1023 = arith.index_cast %scan3A_973 : i32 to index
          %swap3A_1024 = arith.constant 80 : index
          %swap3A_1025 = tpu.vector_load %arg18[%swap3A_1023, %swap3A_1024] {strides = array<i32>} : memref<128x128xf32, #tpu.memory_space<vmem>>, vector<1x16xf32>,
          %swap3A_1026 = vector.shape_cast %swap3A_1025 : vector<1x16xf32> to vector<16xf32>
          %swap3A_1027 = vector.shape_cast %get3A_1022 : vector<16xf32> to vector<1x16xf32>
          tpu.vector_store %arg18[%swap3A_1023, %swap3A_1024], %swap3A_1027 {add = true, strides = array<i32>} : memref<128x128xf32, #tpu.memory_space<vmem>>, vector<1x16xf32>,
          %get3A_1028 = arith.index_cast %scan3A_973 : i32 to index
          %get3A_1029 = arith.constant 96 : index
          %get3A_1030 = tpu.vector_load %arg17[%get3A_1028, %get3A_1029] {strides = array<i32>} : memref<128x128xf32, #tpu.memory_space<vmem>>, vector<1x16xf32>,
          %get3A_1031 = vector.shape_cast %get3A_1030 : vector<1x16xf32> to vector<16xf32>
          %swap3A_1032 = arith.index_cast %scan3A_973 : i32 to index
          %swap3A_1033 = arith.constant 96 : index
          %swap3A_1034 = tpu.vector_load %arg18[%swap3A_1032, %swap3A_1033] {strides = array<i32>} : memref<128x128xf32, #tpu.memory_space<vmem>>, vector<1x16xf32>,
          %swap3A_1035 = vector.shape_cast %swap3A_1034 : vector<1x16xf32> to vector<16xf32>
          %swap3A_1036 = vector.shape_cast %get3A_1031 : vector<16xf32> to vector<1x16xf32>
          tpu.vector_store %arg18[%swap3A_1032, %swap3A_1033], %swap3A_1036 {add = true, strides = array<i32>} : memref<128x128xf32, #tpu.memory_space<vmem>>, vector<1x16xf32>,
          %get3A_1037 = arith.index_cast %scan3A_973 : i32 to index
          %get3A_1038 = arith.constant 112 : index
          %get3A_1039 = tpu.vector_load %arg17[%get3A_1037, %get3A_1038] {strides = array<i32>} : memref<128x128xf32, #tpu.memory_space<vmem>>, vector<1x16xf32>,
          %get3A_1040 = vector.shape_cast %get3A_1039 : vector<1x16xf32> to vector<16xf32>
          %swap3A_1041 = arith.index_cast %scan3A_973 : i32 to index
          %swap3A_1042 = arith.constant 112 : index
          %swap3A_1043 = tpu.vector_load %arg18[%swap3A_1041, %swap3A_1042] {strides = array<i32>} : memref<128x128xf32, #tpu.memory_space<vmem>>, vector<1x16xf32>,
          %swap3A_1044 = vector.shape_cast %swap3A_1043 : vector<1x16xf32> to vector<16xf32>
          %swap3A_1045 = vector.shape_cast %get3A_1040 : vector<16xf32> to vector<1x16xf32>
          tpu.vector_store %arg18[%swap3A_1041, %swap3A_1042], %swap3A_1045 {add = true, strides = array<i32>} : memref<128x128xf32, #tpu.memory_space<vmem>>, vector<1x16xf32>,
        }
        %scan3A_972 = arith.constant 128 : i32
      }
      %scan3A_23 = arith.constant 27 : i32
      "tpu.region"() ({
        %run_scoped3A = tpu.sem_alloc : memref<!tpu.dma_semaphore, #tpu.memory_space<semaphore_mem>>
        %dma_start3A = arith.constant 0 : i32
        %dma_start3A_24 = tpu.memref_slice %arg8[%add3A_11, %dma_start3A] : memref<8192x128xf32, #tpu.memory_space<hbm>> -> memref<128x128xf32, #tpu.memory_space<hbm>>
        %dma_start3A_25 = arith.constant 0 : i32
        %dma_start3A_26 = tpu.memref_slice %arg8[%add3A_11, %dma_start3A_25] : memref<8192x128xf32, #tpu.memory_space<hbm>> -> memref<128x128xf32, #tpu.memory_space<hbm>>
        tpu.enqueue_dma source(%arg18 : memref<128x128xf32, #tpu.memory_space<vmem>>) target(%dma_start3A_26 : memref<128x128xf32, #tpu.memory_space<hbm>>) target_semaphore(%run_scoped3A : memref<!tpu.dma_semaphore, #tpu.memory_space<semaphore_mem>>)
        %dma_wait3A = arith.constant 0 : i32
        %dma_wait3A_27 = tpu.memref_slice %arg8[%add3A_11, %dma_wait3A] : memref<8192x128xf32, #tpu.memory_space<hbm>> -> memref<128x128xf32, #tpu.memory_space<hbm>>
        %dma_wait3A_28 = arith.constant 0 : i32
        %dma_wait3A_29 = tpu.memref_slice %arg8[%add3A_11, %dma_wait3A_28] : memref<8192x128xf32, #tpu.memory_space<hbm>> -> memref<128x128xf32, #tpu.memory_space<hbm>>
        tpu.wait_dma2 semaphore(%run_scoped3A : memref<!tpu.dma_semaphore, #tpu.memory_space<semaphore_mem>>) src(%arg18 : memref<128x128xf32, #tpu.memory_space<vmem>>) dst(%dma_wait3A_29 : memref<128x128xf32, #tpu.memory_space<hbm>>)
        tpu.yield
      }) : () -> ()
    }
    %scan3A_5 = arith.constant 2 : i32
    return
  }
}

module attributes {stable_mosaic.version = 14 : i64} {
  func.func @_a2_body(%arg0: i32, %arg1: memref<512x128xf32, #tpu.memory_space<vmem>>, %arg2: memref<128x128xf32, #tpu.memory_space<vmem>>, %arg3: memref<128x128xf32, #tpu.memory_space<vmem>>, %arg4: memref<512x128xf32, #tpu.memory_space<vmem>>, %arg5: memref<512x128xf32, #tpu.memory_space<vmem>>) attributes {dimension_semantics = [#tpu.dimension_semantics<arbitrary>], iteration_bounds = array<i64: 16>, scalar_prefetch = 0 : i64, scratch_operands = 0 : i64, tpu.core_type = #tpu.core_type<tc>, window_params = [{transform_indices = @transform_0, window_bounds = array<i64: 512, 128>}, {pipeline_mode = #tpu.pipeline_mode<synchronous>, transform_indices = @transform_1, window_bounds = array<i64: 128, 128>}, {pipeline_mode = #tpu.pipeline_mode<synchronous>, transform_indices = @transform_2, window_bounds = array<i64: 128, 128>}, {transform_indices = @transform_3, window_bounds = array<i64: 512, 128>}, {transform_indices = @transform_4, window_bounds = array<i64: 512, 128>}]} {
    %get3A = arith.constant 0 : index
    %get3A_0 = arith.constant 0 : index
    %get3A_1 = vector.load %arg1[%get3A, %get3A_0] : memref<512x128xf32, #tpu.memory_space<vmem>>, vector<512x128xf32>
    %get3A_2 = arith.constant 0 : index
    %get3A_3 = arith.constant 0 : index
    %get3A_4 = vector.load %arg2[%get3A_2, %get3A_3] : memref<128x128xf32, #tpu.memory_space<vmem>>, vector<128x128xf32>
    %dot_general3A = arith.constant dense<0.000000e+00> : vector<512x128xf32>
    %dot_general3A_5 = tpu.matmul %get3A_1, %get3A_4, %dot_general3A {dimension_numbers = #tpu.dot_dimension_numbers<[1], [0], [0], [1], [0, 0, 1, 1], [], []>, transpose_lhs_hint = false} : vector<512x128xf32>, vector<128x128xf32>, vector<512x128xf32> -> vector<512x128xf32>
    %swap3A = arith.constant 0 : index
    %swap3A_6 = arith.constant 0 : index
    %swap3A_7 = vector.load %arg4[%swap3A, %swap3A_6] : memref<512x128xf32, #tpu.memory_space<vmem>>, vector<512x128xf32>
    tpu.vector_store %arg4[%swap3A, %swap3A_6], %dot_general3A_5 {strides = array<i32>} : memref<512x128xf32, #tpu.memory_space<vmem>>, vector<512x128xf32>,
    %get3A_8 = arith.constant 0 : index
    %get3A_9 = arith.constant 0 : index
    %get3A_10 = vector.load %arg3[%get3A_8, %get3A_9] : memref<128x128xf32, #tpu.memory_space<vmem>>, vector<128x128xf32>
    %dot_general3A_11 = arith.constant dense<0.000000e+00> : vector<512x128xf32>
    %dot_general3A_12 = tpu.matmul %get3A_1, %get3A_10, %dot_general3A_11 {dimension_numbers = #tpu.dot_dimension_numbers<[1], [0], [0], [1], [0, 0, 1, 1], [], []>, transpose_lhs_hint = false} : vector<512x128xf32>, vector<128x128xf32>, vector<512x128xf32> -> vector<512x128xf32>
    %swap3A_13 = arith.constant 0 : index
    %swap3A_14 = arith.constant 0 : index
    %swap3A_15 = vector.load %arg5[%swap3A_13, %swap3A_14] : memref<512x128xf32, #tpu.memory_space<vmem>>, vector<512x128xf32>
    tpu.vector_store %arg5[%swap3A_13, %swap3A_14], %dot_general3A_12 {strides = array<i32>} : memref<512x128xf32, #tpu.memory_space<vmem>>, vector<512x128xf32>,
    return
  }
  func.func @transform_0(%arg0: i32) -> (i32, i32) {
    %c0_i32 = arith.constant 0 : i32
    %c0_i32_0 = arith.constant 0 : i32
    return %arg0, %c0_i32 : i32, i32
  }
  func.func @transform_1(%arg0: i32) -> (i32, i32) {
    %c0_i32 = arith.constant 0 : i32
    %c0_i32_0 = arith.constant 0 : i32
    %c0_i32_1 = arith.constant 0 : i32
    return %c0_i32, %c0_i32_0 : i32, i32
  }
  func.func @transform_2(%arg0: i32) -> (i32, i32) {
    %c0_i32 = arith.constant 0 : i32
    %c0_i32_0 = arith.constant 0 : i32
    %c0_i32_1 = arith.constant 0 : i32
    return %c0_i32, %c0_i32_0 : i32, i32
  }
  func.func @transform_3(%arg0: i32) -> (i32, i32) {
    %c0_i32 = arith.constant 0 : i32
    %c0_i32_0 = arith.constant 0 : i32
    return %arg0, %c0_i32 : i32, i32
  }
  func.func @transform_4(%arg0: i32) -> (i32, i32) {
    %c0_i32 = arith.constant 0 : i32
    %c0_i32_0 = arith.constant 0 : i32
    return %arg0, %c0_i32 : i32, i32
  }
}

module attributes {stable_mosaic.version = 14 : i64} {
  func.func @_a1_body(%arg0: i32, %arg1: i32, %arg2: memref<512x128xf32, #tpu.memory_space<vmem>>, %arg3: memref<27x128x128xf32, #tpu.memory_space<vmem>>, %arg4: memref<512x128xf32, #tpu.memory_space<vmem>>) attributes {dimension_semantics = [#tpu.dimension_semantics<arbitrary>, #tpu.dimension_semantics<arbitrary>], iteration_bounds = array<i64: 16, 28>, scalar_prefetch = 0 : i64, scratch_operands = 0 : i64, tpu.core_type = #tpu.core_type<tc>, window_params = [{transform_indices = @transform_0, window_bounds = array<i64: 512, 128>}, {pipeline_mode = #tpu.pipeline_mode<synchronous>, transform_indices = @transform_1, window_bounds = array<i64: 27, 128, 128>}, {transform_indices = @transform_2, window_bounds = array<i64: 512, 128>}]} {
    %lt3A = arith.constant 27 : i32
    %lt3A_0 = arith.cmpi slt, %arg1, %lt3A : i32
    %convert_element_type3A = arith.extui %lt3A_0 : i1 to i32
    %cond3A = arith.constant 0 : i32
    %cond3A_1 = arith.cmpi ne, %convert_element_type3A, %cond3A : i32
    scf.if %cond3A_1 {
      %min3A = arith.constant 26 : i32
      %min3A_6 = arith.minsi %arg1, %min3A : i32
      %get3A = arith.index_cast %min3A_6 : i32 to index
      %get3A_7 = arith.constant 0 : index
      %get3A_8 = arith.constant 0 : index
      %get3A_9 = vector.load %arg3[%get3A, %get3A_7, %get3A_8] : memref<27x128x128xf32, #tpu.memory_space<vmem>>, vector<1x128x128xf32>
      %get3A_10 = vector.shape_cast %get3A_9 : vector<1x128x128xf32> to vector<128x128xf32>
      %get3A_11 = arith.constant 0 : index
      %get3A_12 = arith.constant 0 : index
      %get3A_13 = vector.load %arg2[%get3A_11, %get3A_12] : memref<512x128xf32, #tpu.memory_space<vmem>>, vector<512x128xf32>
      %dot_general3A = arith.constant dense<0.000000e+00> : vector<512x128xf32>
      %dot_general3A_14 = tpu.matmul %get3A_13, %get3A_10, %dot_general3A {dimension_numbers = #tpu.dot_dimension_numbers<[1], [0], [0], [1], [0, 0, 1, 1], [], []>, transpose_lhs_hint = false} : vector<512x128xf32>, vector<128x128xf32>, vector<512x128xf32> -> vector<512x128xf32>
      %swap3A = arith.constant 0 : index
      %swap3A_15 = arith.constant 0 : index
      %swap3A_16 = vector.load %arg4[%swap3A, %swap3A_15] : memref<512x128xf32, #tpu.memory_space<vmem>>, vector<512x128xf32>
      tpu.vector_store %arg4[%swap3A, %swap3A_15], %dot_general3A_14 {strides = array<i32>} : memref<512x128xf32, #tpu.memory_space<vmem>>, vector<512x128xf32>,
    } else {
    }
    %ge3A = arith.constant 27 : i32
    %ge3A_2 = arith.cmpi sge, %arg1, %ge3A : i32
    %convert_element_type3A_3 = arith.extui %ge3A_2 : i1 to i32
    %cond3A_4 = arith.constant 0 : i32
    %cond3A_5 = arith.cmpi ne, %convert_element_type3A_3, %cond3A_4 : i32
    scf.if %cond3A_5 {
      %broadcast_in_dim3A = arith.constant 0.000000e+00 : f32
      %broadcast_in_dim3A_6 = vector.broadcast %broadcast_in_dim3A : f32 to vector<512x128xf32>
      %swap3A = arith.constant 0 : index
      %swap3A_7 = arith.constant 0 : index
      %swap3A_8 = vector.load %arg4[%swap3A, %swap3A_7] : memref<512x128xf32, #tpu.memory_space<vmem>>, vector<512x128xf32>
      tpu.vector_store %arg4[%swap3A, %swap3A_7], %broadcast_in_dim3A_6 {strides = array<i32>} : memref<512x128xf32, #tpu.memory_space<vmem>>, vector<512x128xf32>,
    } else {
    }
    return
  }
  func.func @transform_0(%arg0: i32, %arg1: i32) -> (i32, i32) {
    %c0_i32 = arith.constant 0 : i32
    %c0_i32_0 = arith.constant 0 : i32
    return %arg0, %c0_i32 : i32, i32
  }
  func.func @transform_1(%arg0: i32, %arg1: i32) -> (i32, i32, i32) {
    %c0_i32 = arith.constant 0 : i32
    %c0_i32_0 = arith.constant 0 : i32
    %c0_i32_1 = arith.constant 0 : i32
    %c0_i32_2 = arith.constant 0 : i32
    return %c0_i32, %c0_i32_0, %c0_i32_1 : i32, i32, i32
  }
  func.func @transform_2(%arg0: i32, %arg1: i32) -> (i32, i32) {
    %mul3A = arith.constant 16 : i32
    %mul3A_0 = arith.muli %arg1, %mul3A : i32
    %add3A = arith.addi %mul3A_0, %arg0 : i32
    %c0_i32 = arith.constant 0 : i32
    %c0_i32_1 = arith.constant 0 : i32
    return %add3A, %c0_i32 : i32, i32
  }
}

module attributes {stable_mosaic.version = 14 : i64} {
  func.func @_fin_body(%arg0: i32, %arg1: memref<512x128xf32, #tpu.memory_space<vmem>>, %arg2: memref<512x128xf32, #tpu.memory_space<vmem>>, %arg3: memref<8x128xf32, #tpu.memory_space<vmem>>, %arg4: memref<1x128xf32, #tpu.memory_space<vmem>>, %arg5: memref<1x128xf32, #tpu.memory_space<vmem>>, %arg6: memref<512x128xf32, #tpu.memory_space<vmem>>) attributes {dimension_semantics = [#tpu.dimension_semantics<arbitrary>], iteration_bounds = array<i64: 16>, scalar_prefetch = 0 : i64, scratch_operands = 0 : i64, tpu.core_type = #tpu.core_type<tc>, window_params = [{transform_indices = @transform_0, window_bounds = array<i64: 512, 128>}, {transform_indices = @transform_1, window_bounds = array<i64: 512, 128>}, {pipeline_mode = #tpu.pipeline_mode<synchronous>, transform_indices = @transform_2, window_bounds = array<i64: 8, 128>}, {pipeline_mode = #tpu.pipeline_mode<synchronous>, transform_indices = @transform_3, window_bounds = array<i64: 1, 128>}, {pipeline_mode = #tpu.pipeline_mode<synchronous>, transform_indices = @transform_4, window_bounds = array<i64: 1, 128>}, {transform_indices = @transform_5, window_bounds = array<i64: 512, 128>}]} {
    %get3A = arith.constant 0 : index
    %get3A_0 = arith.constant 0 : index
    %get3A_1 = vector.load %arg3[%get3A, %get3A_0] : memref<8x128xf32, #tpu.memory_space<vmem>>, vector<1x128xf32>
    %mul3A = arith.constant 1.22070313E-4 : f32
    %mul3A_2 = vector.broadcast %mul3A : f32 to vector<1x128xf32>
    %mul3A_3 = arith.mulf %get3A_1, %mul3A_2 : vector<1x128xf32>
    %get3A_4 = arith.constant 1 : index
    %get3A_5 = arith.constant 0 : index
    %get3A_6 = vector.load %arg3[%get3A_4, %get3A_5] : memref<8x128xf32, #tpu.memory_space<vmem>>, vector<1x128xf32>
    %mul3A_7 = arith.constant 1.22070313E-4 : f32
    %mul3A_8 = vector.broadcast %mul3A_7 : f32 to vector<1x128xf32>
    %mul3A_9 = arith.mulf %get3A_6, %mul3A_8 : vector<1x128xf32>
    %mul3A_10 = arith.mulf %mul3A_3, %mul3A_3 : vector<1x128xf32>
    %sub3A = arith.subf %mul3A_9, %mul3A_10 : vector<1x128xf32>
    %add3A = arith.constant 9.99999974E-5 : f32
    %add3A_11 = vector.broadcast %add3A : f32 to vector<1x128xf32>
    %add3A_12 = arith.addf %sub3A, %add3A_11 : vector<1x128xf32>
    %rsqrt3A = math.rsqrt %add3A_12 : vector<1x128xf32>
    %get3A_13 = arith.constant 0 : index
    %get3A_14 = arith.constant 0 : index
    %get3A_15 = vector.load %arg1[%get3A_13, %get3A_14] : memref<512x128xf32, #tpu.memory_space<vmem>>, vector<512x128xf32>
    %get3A_16 = arith.constant 0 : index
    %get3A_17 = arith.constant 0 : index
    %get3A_18 = vector.load %arg2[%get3A_16, %get3A_17] : memref<512x128xf32, #tpu.memory_space<vmem>>, vector<512x128xf32>
    %sub3A_19 = vector.broadcast %mul3A_3 : vector<1x128xf32> to vector<512x128xf32>
    %sub3A_20 = arith.subf %get3A_18, %sub3A_19 : vector<512x128xf32>
    %mul3A_21 = vector.broadcast %rsqrt3A : vector<1x128xf32> to vector<512x128xf32>
    %mul3A_22 = arith.mulf %sub3A_20, %mul3A_21 : vector<512x128xf32>
    %get3A_23 = arith.constant 0 : index
    %get3A_24 = arith.constant 0 : index
    %get3A_25 = vector.load %arg4[%get3A_23, %get3A_24] : memref<1x128xf32, #tpu.memory_space<vmem>>, vector<1x128xf32>
    %mul3A_26 = vector.broadcast %get3A_25 : vector<1x128xf32> to vector<512x128xf32>
    %mul3A_27 = arith.mulf %mul3A_22, %mul3A_26 : vector<512x128xf32>
    %add3A_28 = arith.addf %get3A_15, %mul3A_27 : vector<512x128xf32>
    %get3A_29 = arith.constant 0 : index
    %get3A_30 = arith.constant 0 : index
    %get3A_31 = vector.load %arg5[%get3A_29, %get3A_30] : memref<1x128xf32, #tpu.memory_space<vmem>>, vector<1x128xf32>
    %add3A_32 = vector.broadcast %get3A_31 : vector<1x128xf32> to vector<512x128xf32>
    %add3A_33 = arith.addf %add3A_28, %add3A_32 : vector<512x128xf32>
    %swap3A = arith.constant 0 : index
    %swap3A_34 = arith.constant 0 : index
    %swap3A_35 = vector.load %arg6[%swap3A, %swap3A_34] : memref<512x128xf32, #tpu.memory_space<vmem>>, vector<512x128xf32>
    tpu.vector_store %arg6[%swap3A, %swap3A_34], %add3A_33 {strides = array<i32>} : memref<512x128xf32, #tpu.memory_space<vmem>>, vector<512x128xf32>,
    return
  }
  func.func @transform_0(%arg0: i32) -> (i32, i32) {
    %c0_i32 = arith.constant 0 : i32
    %c0_i32_0 = arith.constant 0 : i32
    return %arg0, %c0_i32 : i32, i32
  }
  func.func @transform_1(%arg0: i32) -> (i32, i32) {
    %c0_i32 = arith.constant 0 : i32
    %c0_i32_0 = arith.constant 0 : i32
    return %arg0, %c0_i32 : i32, i32
  }
  func.func @transform_2(%arg0: i32) -> (i32, i32) {
    %c0_i32 = arith.constant 0 : i32
    %c0_i32_0 = arith.constant 0 : i32
    %c0_i32_1 = arith.constant 0 : i32
    return %c0_i32, %c0_i32_0 : i32, i32
  }
  func.func @transform_3(%arg0: i32) -> (i32, i32) {
    %c0_i32 = arith.constant 0 : i32
    %c0_i32_0 = arith.constant 0 : i32
    %c0_i32_1 = arith.constant 0 : i32
    return %c0_i32, %c0_i32_0 : i32, i32
  }
  func.func @transform_4(%arg0: i32) -> (i32, i32) {
    %c0_i32 = arith.constant 0 : i32
    %c0_i32_0 = arith.constant 0 : i32
    %c0_i32_1 = arith.constant 0 : i32
    return %c0_i32, %c0_i32_0 : i32, i32
  }
  func.func @transform_5(%arg0: i32) -> (i32, i32) {
    %c0_i32 = arith.constant 0 : i32
    %c0_i32_0 = arith.constant 0 : i32
    return %arg0, %c0_i32 : i32, i32
  }
}

module attributes {stable_mosaic.version = 14 : i64} {
  func.func @_attn_body(%arg0: i32, %arg1: memref<2x64xi32, #tpu.memory_space<smem>>, %arg2: memref<128x128xf32, #tpu.memory_space<vmem>>, %arg3: memref<1408x128xf32, #tpu.memory_space<vmem>>, %arg4: memref<1408x128xf32, #tpu.memory_space<vmem>>, %arg5: memref<128x128xf32, #tpu.memory_space<vmem>>, %arg6: memref<128x128xf32, #tpu.memory_space<vmem>>, %arg7: memref<128x128xf32, #tpu.memory_space<vmem>>, %arg8: memref<8x128xf32, #tpu.memory_space<vmem>>) attributes {dimension_semantics = [#tpu.dimension_semantics<arbitrary>], iteration_bounds = array<i64: 64>, scalar_prefetch = 1 : i64, scratch_operands = 0 : i64, tpu.core_type = #tpu.core_type<tc>, window_params = [{transform_indices = @transform_0, window_bounds = array<i64: 128, 128>}, {transform_indices = @transform_1, window_bounds = array<i64: 1408, 128>}, {transform_indices = @transform_2, window_bounds = array<i64: 1408, 128>}, {pipeline_mode = #tpu.pipeline_mode<synchronous>, transform_indices = @transform_3, window_bounds = array<i64: 128, 128>}, {pipeline_mode = #tpu.pipeline_mode<synchronous>, transform_indices = @transform_4, window_bounds = array<i64: 128, 128>}, {transform_indices = @transform_5, window_bounds = array<i64: 128, 128>}, {pipeline_mode = #tpu.pipeline_mode<synchronous>, transform_indices = @transform_6, window_bounds = array<i64: 8, 128>}]} {
    %get3A = arith.constant 1 : index
    %get3A_0 = arith.index_cast %arg0 : i32 to index
    %get3A_1 = memref.load %arg1[%get3A, %get3A_0] : memref<2x64xi32, #tpu.memory_space<smem>>
    %eq3A = arith.constant 0 : i32
    %eq3A_2 = arith.cmpi eq, %arg0, %eq3A : i32
    %convert_element_type3A = arith.extui %eq3A_2 : i1 to i32
    %cond3A = arith.constant 0 : i32
    %cond3A_3 = arith.cmpi ne, %convert_element_type3A, %cond3A : i32
    scf.if %cond3A_3 {
      %broadcast_in_dim3A_54 = arith.constant 0.000000e+00 : f32
      %broadcast_in_dim3A_55 = vector.broadcast %broadcast_in_dim3A_54 : f32 to vector<8x128xf32>
      %swap3A_56 = arith.constant 0 : index
      %swap3A_57 = arith.constant 0 : index
      %swap3A_58 = vector.load %arg8[%swap3A_56, %swap3A_57] : memref<8x128xf32, #tpu.memory_space<vmem>>, vector<8x128xf32>
      tpu.vector_store %arg8[%swap3A_56, %swap3A_57], %broadcast_in_dim3A_55 {strides = array<i32>} : memref<8x128xf32, #tpu.memory_space<vmem>>, vector<8x128xf32>,
    } else {
    }
    %get3A_4 = arith.constant 0 : index
    %get3A_5 = arith.constant 0 : index
    %get3A_6 = vector.load %arg2[%get3A_4, %get3A_5] : memref<128x128xf32, #tpu.memory_space<vmem>>, vector<128x128xf32>
    %get3A_7 = arith.constant 0 : index
    %get3A_8 = arith.constant 0 : index
    %get3A_9 = vector.load %arg5[%get3A_7, %get3A_8] : memref<128x128xf32, #tpu.memory_space<vmem>>, vector<128x128xf32>
    %dot_general3A = arith.constant dense<0.000000e+00> : vector<128x128xf32>
    %dot_general3A_10 = tpu.matmul %get3A_6, %get3A_9, %dot_general3A {dimension_numbers = #tpu.dot_dimension_numbers<[1], [0], [0], [1], [0, 0, 1, 1], [], []>, transpose_lhs_hint = false} : vector<128x128xf32>, vector<128x128xf32>, vector<128x128xf32> -> vector<128x128xf32>
    %get3A_11 = arith.constant 0 : index
    %get3A_12 = arith.constant 0 : index
    %get3A_13 = vector.load %arg3[%get3A_11, %get3A_12] : memref<1408x128xf32, #tpu.memory_space<vmem>>, vector<1408x128xf32>
    %dot_general3A_14 = arith.constant dense<0.000000e+00> : vector<128x1408xf32>
    %dot_general3A_15 = tpu.matmul %dot_general3A_10, %get3A_13, %dot_general3A_14 {dimension_numbers = #tpu.dot_dimension_numbers<[1], [1], [0], [0], [0, 0, 1, 0], [], []>, transpose_lhs_hint = false} : vector<128x128xf32>, vector<1408x128xf32>, vector<128x1408xf32> -> vector<128x1408xf32>
    %iota3A = tpu.iota {dimensions = array<i32: 1>} : vector<128x1408xi32>
    %lt3A = vector.broadcast %get3A_1 : i32 to vector<128x1408xi32>
    %lt3A_16 = arith.cmpi slt, %iota3A, %lt3A : vector<128x1408xi32>
    %jit3A = arith.constant -1.000000e+30 : f32
    %broadcast_in_dim3A = vector.broadcast %jit3A : f32 to vector<128x1408xf32>
    %select_n3A = arith.select %lt3A_16, %dot_general3A_15, %broadcast_in_dim3A : vector<128x1408xi1>, vector<128x1408xf32>
    %reduce_max3A = arith.constant dense<0xFF800000> : vector<128xf32>
    %reduce_max3A_17 = vector.multi_reduction <maximumf>, %select_n3A, %reduce_max3A [1] : vector<128x1408xf32> to vector<128xf32>
    %broadcast_in_dim3A_18 = vector.shape_cast %reduce_max3A_17 : vector<128xf32> to vector<128x1xf32>
    %sub3A = vector.broadcast %broadcast_in_dim3A_18 : vector<128x1xf32> to vector<128x1408xf32>
    %sub3A_19 = arith.subf %select_n3A, %sub3A : vector<128x1408xf32>
    %exp3A = math.exp %sub3A_19 : vector<128x1408xf32>
    %reduce_sum3A = arith.constant dense<0.000000e+00> : vector<128xf32>
    %reduce_sum3A_20 = vector.multi_reduction <add>, %exp3A, %reduce_sum3A [1] : vector<128x1408xf32> to vector<128xf32>
    %broadcast_in_dim3A_21 = vector.shape_cast %reduce_sum3A_20 : vector<128xf32> to vector<128x1xf32>
    %get3A_22 = arith.constant 0 : index
    %get3A_23 = arith.constant 0 : index
    %get3A_24 = vector.load %arg4[%get3A_22, %get3A_23] : memref<1408x128xf32, #tpu.memory_space<vmem>>, vector<1408x128xf32>
    %dot_general3A_25 = arith.constant dense<0.000000e+00> : vector<128x128xf32>
    %dot_general3A_26 = tpu.matmul %exp3A, %get3A_24, %dot_general3A_25 {dimension_numbers = #tpu.dot_dimension_numbers<[1], [0], [0], [1], [0, 0, 1, 1], [], []>, transpose_lhs_hint = false} : vector<128x1408xf32>, vector<1408x128xf32>, vector<128x128xf32> -> vector<128x128xf32>
    %div3A = vector.broadcast %broadcast_in_dim3A_21 : vector<128x1xf32> to vector<128x128xf32>
    %div3A_27 = arith.divf %dot_general3A_26, %div3A : vector<128x128xf32>
    %get3A_28 = arith.constant 0 : index
    %get3A_29 = arith.constant 0 : index
    %get3A_30 = vector.load %arg6[%get3A_28, %get3A_29] : memref<128x128xf32, #tpu.memory_space<vmem>>, vector<128x128xf32>
    %dot_general3A_31 = arith.constant dense<0.000000e+00> : vector<128x128xf32>
    %dot_general3A_32 = tpu.matmul %div3A_27, %get3A_30, %dot_general3A_31 {dimension_numbers = #tpu.dot_dimension_numbers<[1], [0], [0], [1], [0, 0, 1, 1], [], []>, transpose_lhs_hint = false} : vector<128x128xf32>, vector<128x128xf32>, vector<128x128xf32> -> vector<128x128xf32>
    %swap3A = arith.constant 0 : index
    %swap3A_33 = arith.constant 0 : index
    %swap3A_34 = vector.load %arg7[%swap3A, %swap3A_33] : memref<128x128xf32, #tpu.memory_space<vmem>>, vector<128x128xf32>
    tpu.vector_store %arg7[%swap3A, %swap3A_33], %dot_general3A_32 {strides = array<i32>} : memref<128x128xf32, #tpu.memory_space<vmem>>, vector<128x128xf32>,
    %get3A_35 = arith.constant 0 : index
    %get3A_36 = arith.constant 0 : index
    %get3A_37 = vector.load %arg8[%get3A_35, %get3A_36] : memref<8x128xf32, #tpu.memory_space<vmem>>, vector<1x128xf32>
    %reduce_sum3A_38 = arith.constant dense<0.000000e+00> : vector<128xf32>
    %reduce_sum3A_39 = vector.multi_reduction <add>, %dot_general3A_32, %reduce_sum3A_38 [0] : vector<128x128xf32> to vector<128xf32>
    %broadcast_in_dim3A_40 = vector.shape_cast %reduce_sum3A_39 : vector<128xf32> to vector<1x128xf32>
    %add3A = arith.addf %get3A_37, %broadcast_in_dim3A_40 : vector<1x128xf32>
    %swap3A_41 = arith.constant 0 : index
    %swap3A_42 = arith.constant 0 : index
    %swap3A_43 = vector.load %arg8[%swap3A_41, %swap3A_42] : memref<8x128xf32, #tpu.memory_space<vmem>>, vector<1x128xf32>
    tpu.vector_store %arg8[%swap3A_41, %swap3A_42], %add3A {strides = array<i32>} : memref<8x128xf32, #tpu.memory_space<vmem>>, vector<1x128xf32>,
    %get3A_44 = arith.constant 1 : index
    %get3A_45 = arith.constant 0 : index
    %get3A_46 = vector.load %arg8[%get3A_44, %get3A_45] : memref<8x128xf32, #tpu.memory_space<vmem>>, vector<1x128xf32>
    %mul3A = arith.mulf %dot_general3A_32, %dot_general3A_32 : vector<128x128xf32>
    %reduce_sum3A_47 = arith.constant dense<0.000000e+00> : vector<128xf32>
    %reduce_sum3A_48 = vector.multi_reduction <add>, %mul3A, %reduce_sum3A_47 [0] : vector<128x128xf32> to vector<128xf32>
    %broadcast_in_dim3A_49 = vector.shape_cast %reduce_sum3A_48 : vector<128xf32> to vector<1x128xf32>
    %add3A_50 = arith.addf %get3A_46, %broadcast_in_dim3A_49 : vector<1x128xf32>
    %swap3A_51 = arith.constant 1 : index
    %swap3A_52 = arith.constant 0 : index
    %swap3A_53 = vector.load %arg8[%swap3A_51, %swap3A_52] : memref<8x128xf32, #tpu.memory_space<vmem>>, vector<1x128xf32>
    tpu.vector_store %arg8[%swap3A_51, %swap3A_52], %add3A_50 {strides = array<i32>} : memref<8x128xf32, #tpu.memory_space<vmem>>, vector<1x128xf32>,
    return
  }
  func.func @transform_0(%arg0: i32, %arg1: memref<2x64xi32, #tpu.memory_space<smem>>) -> (i32, i32) {
    %c0_i32 = arith.constant 0 : i32
    %c0_i32_0 = arith.constant 0 : i32
    return %arg0, %c0_i32 : i32, i32
  }
  func.func @transform_1(%arg0: i32, %arg1: memref<2x64xi32, #tpu.memory_space<smem>>) -> (i32, i32) {
    %get3A = arith.constant 0 : index
    %get3A_0 = arith.index_cast %arg0 : i32 to index
    %get3A_1 = memref.load %arg1[%get3A, %get3A_0] : memref<2x64xi32, #tpu.memory_space<smem>>
    %c0_i32 = arith.constant 0 : i32
    %c0_i32_2 = arith.constant 0 : i32
    return %get3A_1, %c0_i32 : i32, i32
  }
  func.func @transform_2(%arg0: i32, %arg1: memref<2x64xi32, #tpu.memory_space<smem>>) -> (i32, i32) {
    %get3A = arith.constant 0 : index
    %get3A_0 = arith.index_cast %arg0 : i32 to index
    %get3A_1 = memref.load %arg1[%get3A, %get3A_0] : memref<2x64xi32, #tpu.memory_space<smem>>
    %c0_i32 = arith.constant 0 : i32
    %c0_i32_2 = arith.constant 0 : i32
    return %get3A_1, %c0_i32 : i32, i32
  }
  func.func @transform_3(%arg0: i32, %arg1: memref<2x64xi32, #tpu.memory_space<smem>>) -> (i32, i32) {
    %c0_i32 = arith.constant 0 : i32
    %c0_i32_0 = arith.constant 0 : i32
    %c0_i32_1 = arith.constant 0 : i32
    return %c0_i32, %c0_i32_0 : i32, i32
  }
  func.func @transform_4(%arg0: i32, %arg1: memref<2x64xi32, #tpu.memory_space<smem>>) -> (i32, i32) {
    %c0_i32 = arith.constant 0 : i32
    %c0_i32_0 = arith.constant 0 : i32
    %c0_i32_1 = arith.constant 0 : i32
    return %c0_i32, %c0_i32_0 : i32, i32
  }
  func.func @transform_5(%arg0: i32, %arg1: memref<2x64xi32, #tpu.memory_space<smem>>) -> (i32, i32) {
    %c0_i32 = arith.constant 0 : i32
    %c0_i32_0 = arith.constant 0 : i32
    return %arg0, %c0_i32 : i32, i32
  }
  func.func @transform_6(%arg0: i32, %arg1: memref<2x64xi32, #tpu.memory_space<smem>>) -> (i32, i32) {
    %c0_i32 = arith.constant 0 : i32
    %c0_i32_0 = arith.constant 0 : i32
    %c0_i32_1 = arith.constant 0 : i32
    return %c0_i32, %c0_i32_0 : i32, i32
  }
}

</mosaic_0001>

<sc_bundles>
// kernel: kernel.7.cloned.1.call-start
scs
__scs_entry_jumppad:
0x0: {  	(pc) =	sbr.rel $0x88, $3  }
0x1: {  	(tag) =	ssettag $0x0;
	lr =	simm.s32 $0x1  }
0x2: {  	[smem:$0x3F97] =	sst lr;
	_ =	strace $0xD0000000  }
0x3: {  	_ = 	snop  }
0x4: {  	_ = 	snop  }
0x5: {  	_ = 	snop  }
0x6: {  	_ = 	snop  }
0x7: {  	_ = 	snop  }
__scs_overlays_trampoline_lowered:
0x8: {  	[smem:$0x3FA6] =	sst s0  }
0x9: {  	[smem:$0x3FA7] =	sst s1  }
0xa: {  	[smem:$0x3FA8] =	sst s2  }
0xb: {  	[smem:$0x3FA9] =	sst s3  }
0xc: {  	[smem:$0x3FAA] =	sst s4  }
0xd: {  	[smem:$0x3FAB] =	sst s5  }
0xe: {  	[smem:$0x3FAC] =	sst s6  }
0xf: {  	[smem:$0x3FAD] =	sst s7  }
0x10: {  	[smem:$0x3FAE] =	sst s8  }
0x11: {  	[smem:$0x3FAF] =	sst s9;
	s0 =	simm.s32 @!p0 $0x0  }
0x12: {  	s1 =	sld [smem:$0x3F95];
	s0 =	simm.s32 @p0 $0x1  }
0x13: {  	[smem:$0x3FB0] =	sst s0;
	s0 =	simm.s32 @!p1 $0x0  }
0x14: {  	s2 =	sld [smem:$0x3F94];
	s0 =	simm.s32 @p1 $0x1  }
0x15: {  	[smem:$0x3FB1] =	sst s0;
	s0 =	simm.s32 @!p2 $0x0  }
0x16: {  	s3 =	sld [smem:$0x3FDB];
	s0 =	simm.s32 @p2 $0x1  }
0x17: {  	s4 =	simm.s32 $0x1BF5;
	[smem:$0x3FB3] =	sst s0  }
0x18: {  	s0 =	sld [smem:$0x3F96];
	_ =	swait.ge [sflag:s4], $0x0  }
0x19: {  	s7 =	sld [smem:$0x3F97]  }
0x1a: {  	s8 =	sadd.s32 $0xFFFFE003, lr  }
0x1b: {  	s9 =	sadd.s32 $0xFFFFFEF7, lr;
	s5 =	simm.s32 $0xFFFFFFFF;
	p2 =	slt.u32 s8, $0xFFFFF086  }
0x1c: {  	p1 =	slt.u32 s9, $0xF7A;
	s5 =	simm.s32 @!p2 $0x0  }
0x1d: {  	s5 =	simm.s32 @p1 $0x1;
	p0 =	seq.s32 s7, s2  }
0x1e: {  	s7 =	smul.u32 @!p0 $0xF7A, s2;
	p2 =	seq.s32 @!p0 s5, $0x0  }
0x1f: {  	s9 =	smul.u32 $0xF7A, s1;
	s8 =	simm.s32 @!p0 $0x1BF5;
	p2 =	por !p2, p0  }
0x20: {  	[sflag:s8] =	ssyncset.s32 @!p0 $0xFFFFF086;
	s6 =	sadd.s32 @!p0 s3, s7;
	s7 =	simm.s32 @!p0 $0x108  }
0x21: {  	s3 =	sadd.s32 s3, s9;
	s6 =	sadd.s32 @!p0 $0x88, s6;
	s7 =	simm.s32 @p2 $0x1082  }
0x22: {  	[simem:s7], [sflag:s8] =	dma.local @!p0 [hbm:s6], $0xF7A  }
0x23: {  	s9 =	sor.u32 $0xD0000000, s2;
	s6 =	simm.s32 $0x108;
	_ =	swait.ge @!p0 [sflag:s8], $0x0  }
0x24: {  	s3 =	sadd.s32 $0x88, s3;
	s6 =	simm.s32 @!p1 $0x1082;
	[sflag:s4] =	ssyncset.s32 $0xFFFFF086  }
0x25: {  	[simem:s6], [sflag:s4] =	dma.local [hbm:s3], $0xF7A  }
0x26: {  	[smem:$0x3F97] =	sst s1;
	(tag) =	ssettag s2;
	_ =	strace s9  }
0x27: {  	s1 =	sld [smem:$0x3FA7]  }
0x28: {  	s2 =	sld [smem:$0x3FA8]  }
0x29: {  	s4 =	sld [smem:$0x3FAA]  }
0x2a: {  	p0 =	seq.s32 s5, $0x0;
	s5 =	sld [smem:$0x3FAB]  }
0x2b: {  	s6 =	sld [smem:$0x3FAC]  }
0x2c: {  	s7 =	sld [smem:$0x3FAD]  }
0x2d: {  	s3 =	simm.s32 $0x108;
	s8 =	sld [smem:$0x3FAE]  }
0x2e: {  	s3 =	simm.s32 @!p0 $0x1082;
	s9 =	sld [smem:$0x3FAF]  }
0x2f: {  	lr =	sadd.s32 s0, s3;
	s0 =	sld [smem:$0x3FA6]  }
0x30: {  	s3 =	sld [smem:$0x3FA9]  }
0x31: {  	[smem:$0x3FB2] =	sst s10  }
0x32: {  	s10 =	sld [smem:$0x3FB0];
	_ =	sdelay $0x3  }
0x33: {  	p0 =	seq.s32 s10, $0x1;
	s10 =	sld [smem:$0x3FB2];
	_ =	sdelay $0x3  }
0x34: {  	[smem:$0x3FB2] =	sst s10  }
0x35: {  	s10 =	sld [smem:$0x3FB1];
	_ =	sdelay $0x3  }
0x36: {  	p1 =	seq.s32 s10, $0x1;
	s10 =	sld [smem:$0x3FB2];
	_ =	sdelay $0x3  }
0x37: {  	[smem:$0x3FB2] =	sst s10  }
0x38: {  	s10 =	sld [smem:$0x3FB3]  }
0x39: {  	_ = 	snop;
	(pc) =	sbr.ind lr, $3  }
0x3a: {  	_ = 	snop  }
0x3b: {  	_ = 	snop  }
0x3c: {  	p2 =	seq.s32 s10, $0x1;
	s10 =	sld [smem:$0x3FB2]  }
0x3d: {  	_ =	shalt  }
0x3e: {  	_ =	shalt  }
0x3f: {  	_ =	shalt  }
0x40: {  	_ =	shalt  }
0x41: {  	_ =	shalt  }
0x42: {  	_ =	shalt  }
0x43: {  	_ =	shalt  }
0x44: {  	_ =	shalt  }
0x45: {  	_ =	shalt  }
0x46: {  	_ =	shalt  }
0x47: {  	_ =	shalt  }
0x48: {  	_ =	shalt  }
0x49: {  	_ =	shalt  }
0x4a: {  	_ =	shalt  }
0x4b: {  	_ =	shalt  }
0x4c: {  	_ =	shalt  }
0x4d: {  	_ =	shalt  }
0x4e: {  	_ =	shalt  }
0x4f: {  	_ =	shalt  }
0x50: {  	_ =	shalt  }
0x51: {  	_ =	shalt  }
0x52: {  	_ =	shalt  }
0x53: {  	_ =	shalt  }
0x54: {  	_ =	shalt  }
0x55: {  	_ =	shalt  }
0x56: {  	_ =	shalt  }
0x57: {  	_ =	shalt  }
0x58: {  	_ =	shalt  }
0x59: {  	_ =	shalt  }
0x5a: {  	_ =	shalt  }
0x5b: {  	_ =	shalt  }
0x5c: {  	_ =	shalt  }
0x5d: {  	_ =	shalt  }
0x5e: {  	_ =	shalt  }
0x5f: {  	_ =	shalt  }
0x60: {  	_ =	shalt  }
0x61: {  	_ =	shalt  }
0x62: {  	_ =	shalt  }
0x63: {  	_ =	shalt  }
0x64: {  	_ =	shalt  }
0x65: {  	_ =	shalt  }
0x66: {  	_ =	shalt  }
0x67: {  	_ =	shalt  }
0x68: {  	_ =	shalt  }
0x69: {  	_ =	shalt  }
0x6a: {  	_ =	shalt  }
0x6b: {  	_ =	shalt  }
0x6c: {  	_ =	shalt  }
0x6d: {  	_ =	shalt  }
0x6e: {  	_ =	shalt  }
0x6f: {  	_ =	shalt  }
0x70: {  	_ =	shalt  }
0x71: {  	_ =	shalt  }
0x72: {  	_ =	shalt  }
0x73: {  	_ =	shalt  }
0x74: {  	_ =	shalt  }
0x75: {  	_ =	shalt  }
0x76: {  	_ =	shalt  }
0x77: {  	_ =	shalt  }
0x78: {  	_ =	shalt  }
0x79: {  	_ =	shalt  }
0x7a: {  	_ =	shalt  }
0x7b: {  	_ =	shalt  }
0x7c: {  	_ =	shalt  }
0x7d: {  	_ =	shalt  }
0x7e: {  	_ =	shalt  }
0x7f: {  	_ =	shalt  }
0x80: {  	_ =	shalt  }
0x81: {  	_ =	shalt  }
0x82: {  	_ =	shalt  }
0x83: {  	_ =	shalt  }
0x84: {  	_ =	shalt  }
0x85: {  	_ =	shalt  }
0x86: {  	_ =	shalt  }
0x87: {  	_ =	shalt  }
.Lfunc_end0:
.L_simem_size_0:
called_computation_lowered:
.L_overlay_start_0:
0x88: {  	s2 =	sld [smem:$0x3FD9]  }
0x89: {  	s3 =	sld [smem:$0x3FFE];
	_ =	sdelay $0x1  }
0x8a: {  	s1 =	srdreg.scid  }
0x8b: {  	s0 =	sand.u32 $0x1, s1  }
0x8c: {  	s17 =	sshll.u32 s0, $0xA;
	s2 =	sadd.s32 s3, s2  }
0x8d: {  	s2 =	sadd.s32 s2, s17  }
0x8e: {  	[smem:$0x3FBE] =	sst s2  }
0x8f: {  	_ = 	snop  }
0x90: {  	s2 =	sld [smem:$0x3FD0];
	(tm) =	ssettm $0x1  }
0x91: {  	s18 =	sld [smem:$0x3FFB];
	_ =	sdelay $0x3  }
0x92: {  	_ =	strace s18  }
0x93: {  	s3 =	sld [smem:$0x3FFC];
	_ =	sdelay $0x3  }
0x94: {  	_ =	strace s3  }
0x95: {  	s3 =	sld [smem:$0x3FFD];
	_ =	sdelay $0x3  }
0x96: {  	_ =	strace s3  }
0x97: {  	_ =	strace $0x8FFFFFFF  }
0x98: {  	s19 =	sld [smem:$0x3FDB];
	_ =	sdelay $0x1  }
0x99: {  	s4 =	simm.s32 $_scs_section_size  }
0x9a: {  	s5 =	simm.s32 $_size__tile_overlayer_lowered;
	s6 =	simm.s32 $_tile_overlayer_lowered  }
0x9b: {  	s22 =	simm.s32 $0x1BFF;
	s21 =	sshll.u32 s6, $0x1;
	s3 =	sadd.s32 s4, s19  }
0x9c: {  	s7 =	simm.s32 $0x0;
	s20 =	sshll.u32 s5, $0x1;
	s5 =	sadd.s32 s21, s3  }
0x9d: {  	[timem:s7], [sflag:s22] =	dma.local [hbm:s5], s20  }
0x9e: {  	_ =	swait.ge [sflag:s22], s20  }
0x9f: {  	s4 =	ssub.s32 $0x0, s20;
	[sflag:s22] =	ssyncset.done $0x0  }
0xa0: {  	[sflag:s22] =	ssyncadd.s32 s4;
	_ =	sdelay $0x1  }
0xa1: {  	s23 =	simm.s32 $0x1B8B  }
0xa2: {  	_ =	swait.ge [sflag:s23], $0x1  }
0xa3: {  	[sflag:s23] =	ssyncset.done $0x0  }
0xa4: {  	s25 =	simm.s32 $0x1B8E;
	s24 =	sld [smem:$0x3FFE];
	[sflag:s23] =	ssyncadd.s32 $0xFFFFFFFF  }
0xa5: {  	s26 =	simm.s32 $execute0_lowered;
	[smem:$0x3FD2] =	sst s25  }
0xa6: {  	s5 =	sshll.u32 s26, $0x1;
	_ =	strace $0x80000046;
	[dreg:$0x1] =	wrdreg $0xFFFFFFFF  }
0xa7: {  	s28 =	simm.s32 $_size_execute0_lowered;
	s3 =	sadd.s32 s3, s5;
	[dreg:$0x0] =	wrdreg $0x0  }
0xa8: {  	s5 =	sshll.u32 s28, $0x1;
	[dreg:$0x2] =	wrdreg s3  }
0xa9: {  	[dreg:$0x3] =	wrdreg s5  }
0xaa: {  	[dreg:$0x4] =	wrdreg $0xC0  }
0xab: {  	_ =	task [dreg:s7], $0x5FFFF  }
0xac: {  	[dreg:$0x1] =	wrdreg $0xFFFFFFFF  }
0xad: {  	[dreg:$0x0] =	wrdreg $0x60  }
0xae: {  	[dreg:$0x2] =	wrdreg s24  }
0xaf: {  	[dreg:$0x3] =	wrdreg s2  }
0xb0: {  	[dreg:$0x4] =	wrdreg $0x9  }
0xb1: {  	_ =	task.clear_ibuf [dreg:s7], $0x5FFFF;
	_ =	strace $0x90000046  }
0xb2: {  	s29 =	simm.s32 $0x9;
	_ =	strace $0x80000048  }
0xb3: {  	_ =	swait.ge [sflag:s29], $0x1  }
0xb4: {  	[sflag:s29] =	ssyncadd.s32 $0xFFFFFFFF  }
0xb5: {  	_ =	strace $0x90000048  }
0xb6: {  	_ =	sfence  }
0xb7: {  	s30 =	sld [smem:$0x0];
	_ =	sdelay $0x2  }
0xb8: {  	s31 =	sshll.u32 s1, $0xD;
	s1 =	sshrl.u32 s1, $0x2  }
0xb9: {  	s3 =	sand.u32 $0x4000, s31;
	s1 =	sadd.s32 s1, s30  }
0xba: {  	s0 =	sor.u32 s3, s0;
	s1 =	sshll.u32 s1, $0x11  }
0xbb: {  	s0 =	sor.u32 s1, s0  }
0xbc: {  	s0 =	sadd.s32 $0x8F2B, s0  }
0xbd: {  	[sflag:s0] =	ssyncadd.remote.s32 $0x1  }
0xbe: {  	_ =	sfence.sel $0xFFFF  }
0xbf: {  	[dreg:$0x0] =	wrdreg $0xFFFFFFFF;
	(pc) =	sbr.abs _section_cstart, $3  }
0xc0: {  	[dreg:$0x1] =	wrdreg $0xFFFFFFFF  }
0xc1: {  	_ =	task.clear_ibuf [dreg:s7], $0x2FFFF;
	_ =	strace $0x9FFFFFFF  }
0xc2: {  	(tm) =	ssettm $0x7FFFFFFF  }
0xc3: {  	_ =	shalt  }
tec
execute0_lowered:
.L_overlay_start_1:
0x0: {  	(tag) =	ssettag $0x1  }
0x1: {  	s6 =	rddreg [dreg:$0x0]  }
0x2: {  	s1 =	rddreg [dreg:$0x1]  }
0x3: {  	s0 =	rddreg [dreg:$0x2];
	s2 =	simm.s32 $0x0;
	s7 =	srdreg.scid  }
0x4: {  	s13 =	simm.s32 $0x80;
	s14 =	simm.s32 $0x100;
	s15 =	simm.s32 $0x180  }
0x5: {  	s16 =	simm.s32 $0x200;
	s17 =	simm.s32 $0x300;
	s18 =	simm.s32 $0x380  }
0x6: {  	s19 =	simm.s32 $0x400;
	s20 =	simm.s32 $0x4400;
	s21 =	simm.s32 $0x0  }
0x7: {  	[smem:$0x7FF] =	sst s2;
	s3 =	sadd.s32 $0x3000, s6;
	s4 =	sadd.s32 $0x383000, s6  }
0x8: {  	s5 =	sadd.s32 $0x2C00, s6;
	s10 =	sand.u32 $0x1, s7;
	s7 =	sadd.s32 $0x2800, s6  }
0x9: {  	v0 =	vimm.f32 $0.0e+00;
	v9 =	vlaneseq.u32;
	s8 =	sadd.s32 $0x2400, s6;
	s9 =	sadd.s32 $0x2000, s6;
	s11 =	ssub.s32 $0x2, s10  }
0xa: {  	v1 =	vimm.s32 $0x0;
	s6 =	stileid.u32;
	v2 =	vor.u32 $0x36000, v9;
	v3 =	vor.u32 $0x36010, v9;
	_ =	strace $0x80000047;
	s12 =	sshrl.u32 s11, $0x1  }
0xb: {  	v4 =	vor.u32 $0x36020, v9;
	v5 =	vor.u32 $0x36030, v9;
	v6 =	vor.u32 $0x36040, v9;
	s10 =	sshll.u32 s10, $0xC;
	s31 =	sshll.u32 s6, $0x8;
	s11 =	ssub.s32 s11, s12  }
0xc: {  	v7 =	vor.u32 $0x36050, v9;
	v8 =	vor.u32 $0x36060, v9;
	v9 =	vor.u32 $0x36070, v9;
	s10 =	sor.u32 s31, s10;
	s12 =	simm.s32 $0x1;
	s11 =	smax.u32 s11, $0x1  }
.LBB2_1:
0xd: {  	p1 =	por $0x1, $0x1;
	s22 =	simm.s32 $0x0  }
.LBB2_2:
0xe: {  	s22 =	sor.u32 s10, s22  }
0xf: {  	s24 =	sshrl.u32 s22, $0x3  }
0x10: {  	s23 =	simm.s32 $0x0;
	s25 =	sadd.s32 s5, s24  }
0x11: {  	[tilespmem:s23], [sflag:$0x1] =	stream.linear.gather [hbm4b:s25+s23], $0x80, $0x38;
	[tilespmem:$0x8400] =	vst v63  }
0x12: {  	_ =	swait.ge [sflag:s12], $0x80  }
0x13: {  	[sflag:s12] =	ssyncset.done $0x0  }
0x14: {  	s30 =	sadd.s32 s7, s24;
	[sflag:s12] =	ssyncadd.s32 $0xFFFFFF80  }
0x15: {  	[tilespmem:s13], [sflag:$0x1] =	stream.linear.gather [hbm4b:s30+s23], $0x80, $0x38;
	[tilespmem:$0x8400] =	vst v63  }
0x16: {  	_ =	swait.ge [sflag:s12], $0x80  }
0x17: {  	[sflag:s12] =	ssyncset.done $0x0  }
0x18: {  	s31 =	sadd.s32 s8, s24;
	[sflag:s12] =	ssyncadd.s32 $0xFFFFFF80  }
0x19: {  	[tilespmem:s14], [sflag:$0x1] =	stream.linear.gather [hbm4b:s31+s23], $0x80, $0x38;
	[tilespmem:$0x8400] =	vst v63  }
0x1a: {  	_ =	swait.ge [sflag:s12], $0x80  }
0x1b: {  	[sflag:s12] =	ssyncset.done $0x0  }
0x1c: {  	s24 =	sadd.s32 s9, s24;
	[sflag:s12] =	ssyncadd.s32 $0xFFFFFF80  }
0x1d: {  	[tilespmem:s15], [sflag:$0x1] =	stream.linear.gather [hbm4b:s24+s23], $0x80, $0x38;
	[tilespmem:$0x8400] =	vst v63  }
0x1e: {  	_ =	swait.ge [sflag:s12], $0x80  }
0x1f: {  	p0 =	por p1, p1;
	[sflag:s12] =	ssyncset.done $0x0  }
0x20: {  	s25 =	simm.s32 $0x200;
	s24 =	simm.s32 $0x0;
	[sflag:s12] =	ssyncadd.s32 $0xFFFFFF80  }
.LBB2_3:
0x21: {  	p1 =	sne.s32 s25, $0xFE00;
	[tilespmem:s24+$0x4470] =	vst v0  }
0x22: {  	[tilespmem:s24+$0x4400] =	vst v0  }
0x23: {  	[tilespmem:s24+$0x4410] =	vst v0  }
.Ltmp0:
0x24: {  	[tilespmem:s24+$0x4420] =	vst v0;
	(pc) =	sbr.rel @p1 .LBB2_3-.Ltmp0, $4  }
0x25: {  	[tilespmem:s24+$0x4430] =	vst v0  }
0x26: {  	[tilespmem:s24+$0x4440] =	vst v0  }
0x27: {  	[tilespmem:s24+$0x4450] =	vst v0  }
0x28: {  	[tilespmem:s24+$0x4460] =	vst v0;
	s24 =	sshra.s32 s25, $0x2;
	s25 =	sadd.s32 $0x200, s25  }
0x29: {  	[tilespmem:s24+$0x4470] =	vst v0  }
0x2a: {  	[tilespmem:s24+$0x4400] =	vst v0  }
0x2b: {  	[tilespmem:s24+$0x4410] =	vst v0  }
0x2c: {  	[tilespmem:s24+$0x4420] =	vst v0  }
0x2d: {  	[tilespmem:s24+$0x4430] =	vst v0  }
0x2e: {  	[tilespmem:s24+$0x4440] =	vst v0  }
0x2f: {  	[tilespmem:s24+$0x4450] =	vst v0  }
0x30: {  	[tilespmem:s24+$0x4460] =	vst v0  }
.LBB2_5:
0x31: {  	v10 =	vld [tilespmem:$0x0]  }
0x32: {  	v11 =	vld [tilespmem:$0x80]  }
0x33: {  	v12 =	vld [tilespmem:$0x100]  }
0x34: {  	v13 =	vld [tilespmem:$0x180]  }
0x35: {  	v14 =	vld [tilespmem:$0x10]  }
0x36: {  	v16 =	vld [tilespmem:$0x90]  }
0x37: {  	s24 =	smul.u32 $0xAB, s23;
	v17 =	vld [tilespmem:$0x110]  }
0x38: {  	v30 =	vld [tilespmem:$0x190]  }
0x39: {  	v32 =	vld [tilespmem:$0x20];
	s24 =	sshrl.u32 s24, $0x9  }
0x3a: {  	v33 =	vld [tilespmem:$0x120];
	s24 =	sand.u32 $0x7F, s24  }
0x3b: {  	v36 =	vld [tilespmem:$0x1A0];
	s28 =	smul.u32 $0x3, s24  }
0x3c: {  	v45 =	vld [tilespmem:$0x140];
	s25 =	smul.u32 $0x56, s24  }
0x3d: {  	s26 =	smul.u32 $0x39, s23;
	v27 =	vld [tilespmem:$0x1E0];
	s28 =	ssub.s32 s23, s28  }
0x3e: {  	v18 =	vld [tilespmem:$0xA0];
	s25 =	sshrl.u32 s25, $0x8;
	s28 =	sand.u32 $0xFF, s28  }
0x3f: {  	v39 =	vld [tilespmem:$0x30];
	s26 =	sshrl.u32 s26, $0x9;
	s25 =	smul.u32 $0x3, s25;
	s30 =	sadd.s32 $0xFFFFFFFF, s28  }
0x40: {  	v53 =	vld [tilespmem:$0x50];
	s26 =	sand.u32 $0x7F, s26;
	v13 =	vshll.u32 v13, $0x12;
	v12 =	vadd.s32 s30, v12  }
0x41: {  	v20 =	vld [tilespmem:$0xB0];
	s24 =	ssub.s32 s24, s25;
	s25 =	sadd.s32 $0xFFFFFFFF, s26;
	v31 =	vadd.s32 s30, v17;
	v37 =	vadd.s32 s30, v33;
	v17 =	vshll.u32 v36, $0x12  }
0x42: {  	v23 =	vld [tilespmem:$0xC0];
	v51 =	vadd.s32 s30, v45;
	v33 =	vshll.u32 v27, $0x12;
	v10 =	vadd.s32 s25, v10  }
0x43: {  	v54 =	vld [tilespmem:$0xD0];
	vm7 =	vgt.s32 v12, $0x0;
	v28 =	vadd.s32 s25, v14;
	vm11 =	vgt.s32 v31, $0x0  }
0x44: {  	s24 =	sand.u32 $0xFF, s24;
	v14 =	vshll.u32 v30, $0x12;
	v34 =	vadd.s32 s25, v32;
	vm14 =	vgt.s32 v37, $0x0  }
0x45: {  	v58 =	vadd.s32 s25, v53;
	s29 =	sadd.s32 $0xFFFFFFFF, s24;
	vm0 =	vgt.s32 v10, $0x0;
	vm9 =	vgt.s32 v28, $0x0  }
0x46: {  	vm12 =	vgt.s32 v34, $0x0;
	v11 =	vadd.s32 s29, v11;
	v29 =	vadd.s32 s29, v16  }
0x47: {  	v35 =	vadd.s32 s29, v18;
	v18 =	vadd.s32 s25, v39;
	v20 =	vadd.s32 s29, v20  }
0x48: {  	v50 =	vadd.s32 s29, v23;
	v60 =	vadd.s32 s29, v54;
	vm1 =	vgt.s32 v11, $0x0  }
0x49: {  	v15 =	vor.u32 v10, v11;
	v10 =	vnsel vm0, $0x0, v10;
	v16 =	vor.u32 v28, v29  }
0x4a: {  	vm10 =	vgt.s32 v29, $0x0;
	v38 =	vor.u32 v34, v35;
	vm13 =	vgt.s32 v35, $0x0  }
0x4b: {  	vm15 =	vgt.s32 v18, $0x0;
	vm4 =	vgt.s32 v20, $0x0;
	vm3 =	vgt.s32 v50, $0x0  }
0x4c: {  	v59 =	vld [tilespmem:$0xE0];
	v62 =	vor.u32 v58, v60;
	v11 =	vnsel vm1, $0x0, v11;
	v15 =	vor.u32 v12, v15  }
0x4d: {  	v61 =	vld [tilespmem:$0x160];
	v10 =	vmin.u32 v10, $0x3F;
	v12 =	vnsel vm7, $0x0, v12;
	v16 =	vor.u32 v31, v16  }
0x4e: {  	v21 =	vnsel vm15, $0x0, v18;
	v22 =	vnsel vm4, $0x0, v20;
	v18 =	vor.u32 v18, v20  }
0x4f: {  	v40 =	vld [tilespmem:$0x130];
	v11 =	vmin.u32 v11, $0x3F;
	v10 =	vshll.u32 v10, $0xC;
	vm8 =	vlt.u32 v15, $0x40  }
0x50: {  	v12 =	vmin.u32 v12, $0x3F;
	vm2 =	vlt.u32 v16, $0x40;
	v15 =	vnsel vm11, $0x0, v31  }
0x51: {  	v36 =	vld [tilespmem:$0x170];
	v16 =	vor.u32 v37, v38;
	v43 =	vmin.u32 v21, $0x3F;
	v44 =	vmin.u32 v22, $0x3F  }
0x52: {  	v21 =	vadd.s32 s29, v59;
	v22 =	vadd.s32 s30, v61;
	v10 =	vor.u32 v10, v13  }
0x53: {  	v11 =	vshll.u32 v11, $0x6;
	v13 =	vnsel vm10, $0x0, v29;
	v15 =	vmin.u32 v15, $0x3F  }
0x54: {  	v19 =	vsel vm2, $0x1, v1;
	vm0 =	vlt.u32 v16, $0x40;
	v16 =	vadd.s32 s30, v40  }
0x55: {  	v20 =	vshll.u32 v43, $0xC;
	v46 =	vshll.u32 v44, $0x6;
	vm10 =	vgt.s32 v60, $0x0  }
0x56: {  	v49 =	vld [tilespmem:$0x1C0];
	v43 =	vadd.s32 s30, v36;
	v10 =	vor.u32 v11, v10;
	v13 =	vmin.u32 v13, $0x3F  }
0x57: {  	v63 =	vld [tilespmem:$0x1D0];
	vm5 =	vgt.s32 v16, $0x0;
	v32 =	vsel vm0, $0x1, v1;
	v11 =	vor.u32 v12, v10  }
0x58: {  	v10 =	vsel vm8, $0x1, v1;
	v12 =	vnsel vm9, $0x0, v28;
	v13 =	vshll.u32 v13, $0x6  }
0x59: {  	v24 =	vnsel vm5, $0x0, v16;
	v16 =	vor.u32 v16, v18;
	vm8 =	vgt.s32 v51, $0x0  }
0x5a: {  	vm9 =	vgt.s32 v58, $0x0;
	v12 =	vmin.u32 v12, $0x3F;
	v47 =	vmin.u32 v24, $0x3F  }
0x5b: {  	vm1 =	vlt.u32 v16, $0x40;
	v16 =	vshll.u32 v49, $0x12;
	v18 =	vnsel vm8, $0x0, v51  }
0x5c: {  	v24 =	vshll.u32 v63, $0x12;
	v12 =	vshll.u32 v12, $0xC;
	v18 =	vmin.u32 v18, $0x3F  }
0x5d: {  	v12 =	vor.u32 v12, v14;
	v14 =	vnsel vm13, $0x0, v35;
	vm13 =	vgt.s32 v21, $0x0  }
0x5e: {  	v41 =	vld [tilespmem:$0x1B0];
	v12 =	vor.u32 v13, v12;
	v13 =	vnsel vm12, $0x0, v34;
	v14 =	vmin.u32 v14, $0x3F  }
0x5f: {  	v29 =	vld [tilespmem:$0x70];
	v26 =	vnsel vm13, $0x0, v21;
	v34 =	vsel vm1, $0x1, v1;
	v12 =	vor.u32 v15, v12  }
0x60: {  	v42 =	vld [tilespmem:$0x40];
	v13 =	vmin.u32 v13, $0x3F;
	v15 =	vnsel vm14, $0x0, v37;
	v14 =	vshll.u32 v14, $0x6  }
0x61: {  	vm14 =	vgt.s32 v22, $0x0;
	v35 =	vmin.u32 v26, $0x3F;
	v13 =	vshll.u32 v13, $0xC  }
0x62: {  	v15 =	vmin.u32 v15, $0x3F;
	v28 =	vnsel vm14, $0x0, v22;
	v37 =	vshll.u32 v35, $0x6  }
0x63: {  	v13 =	vor.u32 v13, v17;
	v17 =	vshll.u32 v41, $0x12;
	v39 =	vmin.u32 v28, $0x3F  }
0x64: {  	v41 =	vadd.s32 s25, v29;
	v13 =	vor.u32 v14, v13;
	v17 =	vor.u32 v20, v17  }
0x65: {  	v55 =	vld [tilespmem:$0x150];
	v14 =	vadd.s32 s25, v42;
	vm5 =	vgt.s32 v41, $0x0;
	v17 =	vor.u32 v46, v17  }
0x66: {  	v13 =	vor.u32 v15, v13;
	v52 =	vor.u32 v14, v50;
	vm6 =	vgt.s32 v14, $0x0  }
0x67: {  	v57 =	vld [tilespmem:$0x60];
	v44 =	vnsel vm5, $0x0, v41;
	v48 =	vor.u32 v47, v17;
	v20 =	vor.u32 v51, v52  }
0x68: {  	v14 =	vnsel vm6, $0x0, v14;
	v17 =	vnsel vm3, $0x0, v50;
	v46 =	vmin.u32 v44, $0x3F  }
0x69: {  	vm7 =	vlt.u32 v20, $0x40;
	v14 =	vmin.u32 v14, $0x3F;
	v17 =	vmin.u32 v17, $0x3F  }
0x6a: {  	v20 =	vadd.s32 s30, v55;
	v15 =	vshll.u32 v46, $0xC;
	v14 =	vshll.u32 v14, $0xC  }
0x6b: {  	v56 =	vshll.u32 v17, $0x6;
	v23 =	vor.u32 v20, v62;
	vm11 =	vgt.s32 v20, $0x0  }
0x6c: {  	v17 =	vadd.s32 s25, v57;
	v14 =	vor.u32 v14, v16;
	v16 =	vnsel vm9, $0x0, v58  }
0x6d: {  	[tilespmem:$0x290] =	vst v19;
	v20 =	vnsel vm11, $0x0, v20;
	vm12 =	vgt.s32 v17, $0x0;
	vm15 =	vlt.u32 v23, $0x40  }
0x6e: {  	[tilespmem:$0x2A0] =	vst v32;
	v14 =	vor.u32 v56, v14;
	v16 =	vmin.u32 v16, $0x3F;
	v25 =	vnsel vm12, $0x0, v17  }
0x6f: {  	v31 =	vld [tilespmem:$0xF0];
	[tilespmem:$0x200] =	vst v11;
	v17 =	vor.u32 v17, v21;
	v14 =	vor.u32 v18, v14;
	v18 =	vnsel vm10, $0x0, v60  }
0x70: {  	[tilespmem:$0x280] =	vst v10;
	v38 =	vsel vm15, $0x1, v1;
	v16 =	vshll.u32 v16, $0xC;
	v18 =	vmin.u32 v18, $0x3F  }
0x71: {  	v40 =	vld [tilespmem:$0x1F0];
	[tilespmem:$0x2B0] =	vst v34;
	v30 =	vmin.u32 v25, $0x3F;
	v16 =	vor.u32 v16, v24;
	v18 =	vshll.u32 v18, $0x6  }
0x72: {  	[tilespmem:$0x210] =	vst v12;
	v24 =	vmin.u32 v20, $0x3F;
	v11 =	vor.u32 v18, v16;
	v16 =	vshll.u32 v30, $0xC  }
0x73: {  	[tilespmem:$0x220] =	vst v13;
	v10 =	vor.u32 v24, v11;
	v11 =	vor.u32 v22, v17;
	v16 =	vor.u32 v16, v33  }
0x74: {  	[tilespmem:$0x230] =	vst v48;
	v17 =	vadd.s32 s29, v31;
	vm4 =	vlt.u32 v11, $0x40;
	v11 =	vsel vm7, $0x1, v1  }
0x75: {  	[tilespmem:$0x2D0] =	vst v38;
	v13 =	vor.u32 v37, v16;
	vm6 =	vgt.s32 v17, $0x0;
	vm7 =	vgt.s32 v43, $0x0  }
0x76: {  	[tilespmem:$0x250] =	vst v10;
	v10 =	vshll.u32 v40, $0x12;
	v13 =	vor.u32 v39, v13;
	v45 =	vnsel vm6, $0x0, v17  }
0x77: {  	v42 =	vsel vm4, $0x1, v1;
	[tilespmem:$0x2C0] =	vst v11;
	v11 =	vor.u32 v41, v17;
	v47 =	vmin.u32 v45, $0x3F  }
0x78: {  	[tilespmem:$0x240] =	vst v14;
	v48 =	vnsel vm7, $0x0, v43;
	v10 =	vor.u32 v15, v10;
	v49 =	vshll.u32 v47, $0x6  }
0x79: {  	[tilespmem:$0x260] =	vst v13;
	v11 =	vor.u32 v43, v11;
	v12 =	vmin.u32 v48, $0x3F;
	v10 =	vor.u32 v49, v10  }
0x7a: {  	[tilespmem:$0x2E0] =	vst v42;
	vm8 =	vlt.u32 v11, $0x40;
	v10 =	vor.u32 v12, v10  }
0x7b: {  	[tilespmem:$0x270] =	vst v10;
	v10 =	vsel vm8, $0x1, v1  }
0x7c: {  	[tilespmem:$0x2F0] =	vst v10  }
0x7d: {  	[tilespmem:s17], [sflag:$0x1] =	stream.indirect.gather [hbm4b:s4+s13], $0x1, s16, s13, $0xb8;
	[tilespmem:$0x8400] =	vst v63  }
0x7e: {  	_ =	swait.ge [sflag:s12], $0x80  }
0x7f: {  	[sflag:s12] =	ssyncset.done $0x0  }
0x80: {  	[sflag:s12] =	ssyncadd.s32 $0xFFFFFF80  }
0x81: {  	v10 =	vld [tilespmem:$0x300]  }
0x82: {  	v11 =	vld [tilespmem:$0x280]  }
0x83: {  	v50 =	vld [tilespmem:$0x310]  }
0x84: {  	v51 =	vld [tilespmem:$0x290]  }
0x85: {  	v52 =	vld [tilespmem:$0x320]  }
0x86: {  	v53 =	vld [tilespmem:$0x2A0]  }
0x87: {  	v54 =	vld [tilespmem:$0x330]  }
0x88: {  	v55 =	vld [tilespmem:$0x2B0]  }
0x89: {  	v56 =	vld [tilespmem:$0x2C0]  }
0x8a: {  	v57 =	vld [tilespmem:$0x2D0]  }
0x8b: {  	s31 =	sshll.u32 s23, $0xD;
	v58 =	vld [tilespmem:$0x2E0]  }
0x8c: {  	v59 =	vld [tilespmem:$0x350];
	vm9 =	veq.s32 v11, $0x1;
	vm10 =	vgt.s32 v10, $0xFFFFFFFF;
	v10 =	vadd.s32 s31, v10  }
0x8d: {  	v60 =	vld [tilespmem:$0x360];
	vm11 =	veq.s32 v51, $0x1;
	vm12 =	vgt.s32 v50, $0xFFFFFFFF;
	v12 =	vadd.s32 s31, v50  }
0x8e: {  	v61 =	vld [tilespmem:$0x370];
	vm14 =	veq.s32 v53, $0x1;
	vm15 =	vgt.s32 v52, $0xFFFFFFFF;
	v14 =	vadd.s32 s31, v52  }
0x8f: {  	v62 =	vld [tilespmem:$0x2F0];
	vm4 =	veq.s32 v55, $0x1;
	vm5 =	vgt.s32 v54, $0xFFFFFFFF;
	vm6 =	veq.s32 v56, $0x1  }
0x90: {  	v11 =	vld [tilespmem:$0x340];
	v16 =	vadd.s32 s31, v54;
	vm7 =	veq.s32 v57, $0x1;
	vm8 =	veq.s32 v58, $0x1  }
0x91: {  	v63 =	vadd.s32 s31, v59;
	vm0 =	vmand vm10, vm9;
	vm13 =	vmand vm12, vm11  }
0x92: {  	vm10 =	vgt.s32 v59, $0xFFFFFFFF;
	vm11 =	vgt.s32 v60, $0xFFFFFFFF;
	v10 =	vsel vm0, v10, v2  }
0x93: {  	v12 =	vsel vm13, v12, v3;
	vm0 =	vmand vm15, vm14;
	vm1 =	vmand vm10, vm7;
	[tilespmem:$0x380] =	vst v10  }
0x94: {  	vm13 =	veq.s32 v62, $0x1;
	v14 =	vsel vm0, v14, v4;
	vm0 =	vmand vm5, vm4;
	[tilespmem:$0x390] =	vst v12  }
0x95: {  	vm14 =	vgt.s32 v61, $0xFFFFFFFF;
	v10 =	vsel vm0, v16, v5;
	[tilespmem:$0x3A0] =	vst v14;
	vm9 =	vgt.s32 v11, $0xFFFFFFFF  }
0x96: {  	v11 =	vadd.s32 s31, v11;
	[tilespmem:$0x3B0] =	vst v10;
	v10 =	vsel vm1, v63, v7;
	vm0 =	vmand vm9, vm6  }
0x97: {  	vm15 =	vmand vm14, vm13;
	[tilespmem:$0x3D0] =	vst v10;
	v10 =	vadd.s32 s31, v61;
	v11 =	vsel vm0, v11, v6  }
0x98: {  	vm12 =	vmand vm11, vm8;
	v10 =	vsel vm15, v10, v9;
	[tilespmem:$0x3C0] =	vst v11;
	v11 =	vadd.s32 s31, v60  }
0x99: {  	[tilespmem:$0x3F0] =	vst v10;
	v11 =	vsel vm12, v11, v8  }
0x9a: {  	[tilespmem:$0x3E0] =	vst v11  }
0x9b: {  	[tilespmem:s19], [sflag:$0x1] =	stream.indirect.gather [hbm4b:s3+s13], $0x80, s18, s13, $0xb8;
	[tilespmem:$0x8400] =	vst v63  }
0x9c: {  	_ =	swait.ge [sflag:s12], $0x4000  }
0x9d: {  	[sflag:s12] =	ssyncset.done $0x0  }
0x9e: {  	s24 =	simm.s32 $0x0;
	s25 =	simm.s32 $0x200;
	[sflag:s12] =	ssyncadd.s32 $0xFFFFC000  }
.LBB2_6:
0x9f: {  	p1 =	sne.s32 s25, $0xFE00;
	v10 =	vld [tilespmem:s24+$0x470]  }
0xa0: {  	v11 =	vld [tilespmem:s24+$0x400]  }
0xa1: {  	v12 =	vld [tilespmem:s24+$0x410]  }
0xa2: {  	v13 =	vld [tilespmem:s24+$0x420]  }
0xa3: {  	v14 =	vld [tilespmem:s24+$0x430]  }
0xa4: {  	[tilespmem:s24+$0x4470] =	vst.add.f32.msk $0xffff, v10  }
0xa5: {  	v10 =	vld [tilespmem:s24+$0x440]  }
0xa6: {  	v15 =	vld [tilespmem:s24+$0x450]  }
0xa7: {  	v16 =	vld [tilespmem:s24+$0x460]  }
0xa8: {  	[tilespmem:s24+$0x4400] =	vst.add.f32.msk $0xffff, v11  }
0xa9: {  	[tilespmem:s24+$0x4410] =	vst.add.f32.msk $0xffff, v12  }
.Ltmp1:
0xaa: {  	[tilespmem:s24+$0x4420] =	vst.add.f32.msk $0xffff, v13;
	(pc) =	sbr.rel @p1 .LBB2_6-.Ltmp1, $4  }
0xab: {  	[tilespmem:s24+$0x4430] =	vst.add.f32.msk $0xffff, v14  }
0xac: {  	[tilespmem:s24+$0x4440] =	vst.add.f32.msk $0xffff, v10  }
0xad: {  	[tilespmem:s24+$0x4450] =	vst.add.f32.msk $0xffff, v15  }
0xae: {  	[tilespmem:s24+$0x4460] =	vst.add.f32.msk $0xffff, v16;
	s24 =	sshra.s32 s25, $0x2;
	s25 =	sadd.s32 $0x200, s25  }
0xaf: {  	v10 =	vld [tilespmem:s24+$0x470]  }
0xb0: {  	v11 =	vld [tilespmem:s24+$0x400]  }
0xb1: {  	v12 =	vld [tilespmem:s24+$0x410]  }
0xb2: {  	v13 =	vld [tilespmem:s24+$0x420]  }
0xb3: {  	v14 =	vld [tilespmem:s24+$0x430]  }
0xb4: {  	v15 =	vld [tilespmem:s24+$0x450]  }
0xb5: {  	v16 =	vld [tilespmem:s24+$0x460]  }
0xb6: {  	[tilespmem:s24+$0x4470] =	vst.add.f32.msk $0xffff, v10  }
0xb7: {  	v10 =	vld [tilespmem:s24+$0x440]  }
0xb8: {  	s23 =	sadd.s32 $0x1, s23;
	[tilespmem:s24+$0x4400] =	vst.add.f32.msk $0xffff, v11  }
0xb9: {  	p1 =	sne.s32 s23, $0x1B;
	[tilespmem:s24+$0x4410] =	vst.add.f32.msk $0xffff, v12  }
.Ltmp2:
0xba: {  	[tilespmem:s24+$0x4420] =	vst.add.f32.msk $0xffff, v13;
	(pc) =	sbr.rel @p1 .LBB2_5-.Ltmp2, $4  }
0xbb: {  	[tilespmem:s24+$0x4430] =	vst.add.f32.msk $0xffff, v14  }
0xbc: {  	[tilespmem:s24+$0x4450] =	vst.add.f32.msk $0xffff, v15  }
0xbd: {  	[tilespmem:s24+$0x4460] =	vst.add.f32.msk $0xffff, v16  }
0xbe: {  	[tilespmem:s24+$0x4440] =	vst.add.f32.msk $0xffff, v10  }
0xbf: {  	s22 =	sshll.u32 s22, $0x4  }
.Ltmp3:
0xc0: {  	s22 =	sadd.s32 s1, s22;
	(pc) =	sbr.rel @p0 .LBB2_2-.Ltmp3, $4  }
0xc1: {  	[hbm4b:s22+s2] =	stream.linear.scatter [tilespmem:s20], [sflag:$0x1], $0x4000, $0x38;
	[tilespmem:$0x8400] =	vst v63  }
0xc2: {  	_ =	swait.ge [sflag:s12], $0x4000  }
0xc3: {  	[sflag:s12] =	ssyncset.done $0x0  }
0xc4: {  	p1 =	por $0x0, $0x0;
	s22 =	simm.s32 $0x80;
	[sflag:s12] =	ssyncadd.s32 $0xFFFFC000  }
0xc5: {  	s21 =	sadd.s32 $0x1, s21  }
0xc6: {  	p0 =	sne.s32 s21, s11  }
.Ltmp4:
0xc7: {  	_ = 	snop;
	(pc) =	sbr.rel @p0 .LBB2_1-.Ltmp4, $1  }
0xc8: {  	_ =	sdelay $0x3  }
0xc9: {  	_ =	sfence.sel $0x180000  }
0xca: {  	[bflag:$0x0] =	sbarrier.arrive $0xFFFF  }
0xcb: {  	p0 =	sne.s32 s6, $0x0;
	_ =	strace $0x90000047  }
0xcc: {  	s0 =	sadd.s32 @!p0 $0x100000, s0;
	[bflag:$0x2] =	sbarrier.arrive $0xFFFF  }
0xcd: {  	[sflag:s0] =	ssyncadd.tile.s32 @!p0 $0x1;
	_ =	shalt  }
.Lfunc_end2:
_tile_overlayer_lowered:
.L_overlay_start_2:
0xce: {  	(tag) =	ssettag $0x2  }
0xcf: {  	s0 =	rddreg [dreg:$0x0];
	s2 =	stileid.u32  }
0xd0: {  	s1 =	rddreg [dreg:$0x1];
	p0 =	sne.s32 s2, $0x0  }
0xd1: {  	s3 =	rddreg [dreg:$0x2];
	[bflag:$0x3] =	sbarrier.arrive $0xFFFF;
	s2 =	simm.s32 @!p0 $0x1C01  }
0xd2: {  	[timem:s3], [sflag:s2] =	dma.local @!p0 [hbm:s0], s1  }
0xd3: {  	s0 =	simm.s32 @!p0 $0x1  }
0xd4: {  	_ =	swait.ge @!p0 [sflag:s0], s1  }
0xd5: {  	s1 =	ssub.s32 @!p0 $0x0, s1;
	[sflag:s0] =	ssyncset.done @!p0 $0x0  }
0xd6: {  	[sflag:s0] =	ssyncadd.s32 @!p0 s1  }
0xd7: {  	[bflag:$0x3] =	sbarrier.arrive $0xFFFF  }
0xd8: {  	_ =	shalt  }

</sc_bundles>
